<compile_context>
chip_gen: v7x
topology: tpu7x:2x2x1
jax: 0.10.2.dev20260603
libtpu: 0.0.44.dev20260713+nightly
codegen_flags: <defaults>
</compile_context>

<pallas_src>
import functools

import jax
import jax.numpy as jnp
from jax import lax
from jax.experimental import pallas as pl
from jax.experimental.pallas import tpu as pltpu
from jax.experimental.pallas import tpu_sc as plsc

HIDDEN = 128
LANES = 16
NH = HIDDEN // LANES
EPS = 1e-12


def _rsqrt(x):
    i = plsc.bitcast(x, jnp.int32)
    i = 0x5F3759DF - lax.shift_right_logical(i, 1)
    y = plsc.bitcast(i, jnp.float32)
    for _ in range(3):
        y = y * (1.5 - 0.5 * x * y * y)
    return y


def _body(n_per_w, nc, ids_hbm, tti_hbm, wtab_hbm, tttab_hbm, gam_hbm, bet_hbm,
          out_hbm, idx_v, tti_v, rows_v, ttrows_v, gam_v, bet_v, sem):
    wid = lax.axis_index("s") * nc + lax.axis_index("c")
    base = wid * n_per_w

    pltpu.sync_copy(ids_hbm.at[pl.ds(base, n_per_w)], idx_v)
    pltpu.sync_copy(tti_hbm.at[pl.ds(base, n_per_w)], tti_v)
    pltpu.sync_copy(gam_hbm, gam_v)
    pltpu.sync_copy(bet_hbm, bet_v)

    nchunk = n_per_w // 128
    copies = []
    for c in range(nchunk):
        sl = pl.ds(c * 128, 128)
        copies.append(pltpu.async_copy(wtab_hbm.at[idx_v.at[sl]], rows_v.at[sl], sem))
        copies.append(pltpu.async_copy(tttab_hbm.at[tti_v.at[sl]], ttrows_v.at[sl], sem))
    for cp in copies:
        cp.wait()

    gam = [gam_v[pl.ds(h * LANES, LANES)] for h in range(NH)]
    bet = [bet_v[pl.ds(h * LANES, LANES)] for h in range(NH)]

    def token(t, carry):
        e = [rows_v[t, pl.ds(h * LANES, LANES)] + ttrows_v[t, pl.ds(h * LANES, LANES)]
             for h in range(NH)]
        s = e[0]
        for h in range(1, NH):
            s = s + e[h]
        mean = jnp.sum(s) * (1.0 / HIDDEN)
        d = [eh - mean for eh in e]
        sq = d[0] * d[0]
        for h in range(1, NH):
            sq = sq + d[h] * d[h]
        var = jnp.sum(sq) * (1.0 / HIDDEN)
        rinv = _rsqrt(jnp.full((LANES,), var + EPS, jnp.float32))
        for h in range(NH):
            rows_v[t, pl.ds(h * LANES, LANES)] = d[h] * rinv * gam[h] + bet[h]
        return carry

    lax.fori_loop(0, n_per_w, token, 0, unroll=False)

    pltpu.sync_copy(rows_v, out_hbm.at[pl.ds(base, n_per_w)])


def kernel(input_ids, token_type_ids, word_embeddings, token_type_embeddings,
           ln_gamma, ln_beta):
    b, s = input_ids.shape
    n = b * s
    nc, ns = 2, 16
    nw = nc * ns
    n_per_w = n // nw

    mesh = plsc.VectorSubcoreMesh(core_axis_name="c", subcore_axis_name="s")
    run = pl.kernel(
        functools.partial(_body, n_per_w, nc),
        out_type=jax.ShapeDtypeStruct((n, HIDDEN), jnp.float32),
        mesh=mesh,
        scratch_types=[
            pltpu.VMEM((n_per_w,), jnp.int32),
            pltpu.VMEM((n_per_w,), jnp.int32),
            pltpu.VMEM((n_per_w, HIDDEN), jnp.float32),
            pltpu.VMEM((n_per_w, HIDDEN), jnp.float32),
            pltpu.VMEM((HIDDEN,), jnp.float32),
            pltpu.VMEM((HIDDEN,), jnp.float32),
            pltpu.SemaphoreType.DMA,
        ],
        compiler_params=pltpu.CompilerParams(needs_layout_passes=False),
    )
    out = run(
        input_ids.reshape(n).astype(jnp.int32),
        token_type_ids.reshape(n).astype(jnp.int32),
        word_embeddings,
        token_type_embeddings,
        ln_gamma,
        ln_beta,
    )
    return out.reshape(b, s, HIDDEN)

# --- scband reference (transcript-rebuilt; emitter-appended) ---
"""Pipeline reference for scband-nezha-embeddings-74259984547971 (READ-ONLY COPY).

The authoritative reference and input builder live on the scoring server;
editing this copy changes nothing except your own understanding.
"""

import jax, jax.numpy as jnp
import numpy as np

VOCAB = 100000
HIDDEN = 128
TYPE_VOCAB = 2
B, S = 4, 2048
EPS = 1e-12


def setup_inputs(seed: int = 0) -> dict:
    key = jax.random.key(seed)
    k1, k2, k3 = jax.random.split(key, 3)
    input_ids = jax.random.randint(k1, (B, S), 0, VOCAB)
    token_type_ids = jnp.zeros((B, S), dtype=jnp.int32)
    word_embeddings = jax.random.normal(k2, (VOCAB, HIDDEN), dtype=jnp.float32) * 0.02
    # padding_idx=0: row zeroed as torch nn.Embedding(padding_idx=0) initializes it to zero
    word_embeddings = word_embeddings.at[0].set(0.0)
    token_type_embeddings = jax.random.normal(k3, (TYPE_VOCAB, HIDDEN), dtype=jnp.float32) * 0.02
    ln_gamma = jnp.ones((HIDDEN,), dtype=jnp.float32)
    ln_beta = jnp.zeros((HIDDEN,), dtype=jnp.float32)
    return {
        "input_ids": input_ids,
        "token_type_ids": token_type_ids,
        "word_embeddings": word_embeddings,
        "token_type_embeddings": token_type_embeddings,
        "ln_gamma": ln_gamma,
        "ln_beta": ln_beta,
    }


def reference(input_ids, token_type_ids, word_embeddings, token_type_embeddings, ln_gamma, ln_beta):
    # word embedding lookup (gather)
    inputs_embeds = jnp.take(word_embeddings, input_ids, axis=0)
    # token type embedding lookup (gather)
    tt_embeds = jnp.take(token_type_embeddings, token_type_ids, axis=0)
    embeddings = inputs_embeds + tt_embeds
    # LayerNorm over last dim, eps=1e-12
    mean = jnp.mean(embeddings, axis=-1, keepdims=True)
    var = jnp.mean((embeddings - mean) ** 2, axis=-1, keepdims=True)
    normed = (embeddings - mean) / jnp.sqrt(var + EPS)
    out = normed * ln_gamma + ln_beta
    # dropout with p=0.0 (eval mode) -> identity
    return out

if __name__ == "__main__":
    import jax
    _d = setup_inputs()
    print(jax.jit(kernel)(*tuple(_d.values())))

</pallas_src>

<mosaic_0001>
#map = affine_map<(d0, d1) -> (0)>
#map1 = affine_map<(d0, d1) -> (0, 0)>
module attributes {stable_mosaic.version = 14 : i64} {
  func.func @_body(%arg0: i32, %arg1: i32, %arg2: memref<8192xi32, #tpu.memory_space<hbm>>, %arg3: memref<8192xi32, #tpu.memory_space<hbm>>, %arg4: memref<100000x128xf32, #tpu.memory_space<hbm>>, %arg5: memref<2x128xf32, #tpu.memory_space<hbm>>, %arg6: memref<128xf32, #tpu.memory_space<hbm>>, %arg7: memref<128xf32, #tpu.memory_space<hbm>>, %arg8: memref<8192x128xf32, #tpu.memory_space<hbm>>, %arg9: memref<256xi32, #tpu.memory_space<vmem>>, %arg10: memref<256xi32, #tpu.memory_space<vmem>>, %arg11: memref<256x128xf32, #tpu.memory_space<vmem>>, %arg12: memref<256x128xf32, #tpu.memory_space<vmem>>, %arg13: memref<128xf32, #tpu.memory_space<vmem>>, %arg14: memref<128xf32, #tpu.memory_space<vmem>>, %arg15: memref<!tpu.dma_semaphore, #tpu.memory_space<semaphore_mem>>) attributes {dimension_semantics = [#tpu.dimension_semantics<core_parallel>, #tpu.dimension_semantics<subcore_parallel>], iteration_bounds = array<i64: 2, 16>, scalar_prefetch = 0 : i64, scratch_operands = 7 : i64, tpu.core_type = #tpu.core_type<sc_vector_subcore>, window_params = [{transform_indices = #map}, {transform_indices = #map}, {transform_indices = #map1}, {transform_indices = #map1}, {transform_indices = #map}, {transform_indices = #map}, {transform_indices = #map1}]} {
    %mul3A = arith.constant 2 : i32
    %mul3A_0 = arith.muli %arg1, %mul3A : i32
    %add3A = arith.addi %mul3A_0, %arg0 : i32
    %mul3A_1 = arith.constant 256 : i32
    %mul3A_2 = arith.muli %add3A, %mul3A_1 : i32
    "tpu.region"() ({
      %run_scoped3A = tpu.sem_alloc : memref<!tpu.dma_semaphore, #tpu.memory_space<semaphore_mem>>
      %dma_start3A_101 = tpu.memref_slice %arg2[%mul3A_2] : memref<8192xi32, #tpu.memory_space<hbm>> -> memref<256xi32, #tpu.memory_space<hbm>>
      %dma_start3A_102 = tpu.memref_slice %arg2[%mul3A_2] : memref<8192xi32, #tpu.memory_space<hbm>> -> memref<256xi32, #tpu.memory_space<hbm>>
      tpu.enqueue_dma source(%dma_start3A_102 : memref<256xi32, #tpu.memory_space<hbm>>) target(%arg9 : memref<256xi32, #tpu.memory_space<vmem>>) target_semaphore(%run_scoped3A : memref<!tpu.dma_semaphore, #tpu.memory_space<semaphore_mem>>)
      %dma_wait3A_103 = tpu.memref_slice %arg2[%mul3A_2] : memref<8192xi32, #tpu.memory_space<hbm>> -> memref<256xi32, #tpu.memory_space<hbm>>
      %dma_wait3A_104 = tpu.memref_slice %arg2[%mul3A_2] : memref<8192xi32, #tpu.memory_space<hbm>> -> memref<256xi32, #tpu.memory_space<hbm>>
      tpu.wait_dma2 semaphore(%run_scoped3A : memref<!tpu.dma_semaphore, #tpu.memory_space<semaphore_mem>>) src(%dma_wait3A_104 : memref<256xi32, #tpu.memory_space<hbm>>) dst(%arg9 : memref<256xi32, #tpu.memory_space<vmem>>)
      tpu.yield
    }) : () -> ()
    "tpu.region"() ({
      %run_scoped3A = tpu.sem_alloc : memref<!tpu.dma_semaphore, #tpu.memory_space<semaphore_mem>>
      %dma_start3A_101 = tpu.memref_slice %arg3[%mul3A_2] : memref<8192xi32, #tpu.memory_space<hbm>> -> memref<256xi32, #tpu.memory_space<hbm>>
      %dma_start3A_102 = tpu.memref_slice %arg3[%mul3A_2] : memref<8192xi32, #tpu.memory_space<hbm>> -> memref<256xi32, #tpu.memory_space<hbm>>
      tpu.enqueue_dma source(%dma_start3A_102 : memref<256xi32, #tpu.memory_space<hbm>>) target(%arg10 : memref<256xi32, #tpu.memory_space<vmem>>) target_semaphore(%run_scoped3A : memref<!tpu.dma_semaphore, #tpu.memory_space<semaphore_mem>>)
      %dma_wait3A_103 = tpu.memref_slice %arg3[%mul3A_2] : memref<8192xi32, #tpu.memory_space<hbm>> -> memref<256xi32, #tpu.memory_space<hbm>>
      %dma_wait3A_104 = tpu.memref_slice %arg3[%mul3A_2] : memref<8192xi32, #tpu.memory_space<hbm>> -> memref<256xi32, #tpu.memory_space<hbm>>
      tpu.wait_dma2 semaphore(%run_scoped3A : memref<!tpu.dma_semaphore, #tpu.memory_space<semaphore_mem>>) src(%dma_wait3A_104 : memref<256xi32, #tpu.memory_space<hbm>>) dst(%arg10 : memref<256xi32, #tpu.memory_space<vmem>>)
      tpu.yield
    }) : () -> ()
    "tpu.region"() ({
      %run_scoped3A = tpu.sem_alloc : memref<!tpu.dma_semaphore, #tpu.memory_space<semaphore_mem>>
      tpu.enqueue_dma source(%arg6 : memref<128xf32, #tpu.memory_space<hbm>>) target(%arg13 : memref<128xf32, #tpu.memory_space<vmem>>) target_semaphore(%run_scoped3A : memref<!tpu.dma_semaphore, #tpu.memory_space<semaphore_mem>>)
      tpu.wait_dma2 semaphore(%run_scoped3A : memref<!tpu.dma_semaphore, #tpu.memory_space<semaphore_mem>>) src(%arg6 : memref<128xf32, #tpu.memory_space<hbm>>) dst(%arg13 : memref<128xf32, #tpu.memory_space<vmem>>)
      tpu.yield
    }) : () -> ()
    "tpu.region"() ({
      %run_scoped3A = tpu.sem_alloc : memref<!tpu.dma_semaphore, #tpu.memory_space<semaphore_mem>>
      tpu.enqueue_dma source(%arg7 : memref<128xf32, #tpu.memory_space<hbm>>) target(%arg14 : memref<128xf32, #tpu.memory_space<vmem>>) target_semaphore(%run_scoped3A : memref<!tpu.dma_semaphore, #tpu.memory_space<semaphore_mem>>)
      tpu.wait_dma2 semaphore(%run_scoped3A : memref<!tpu.dma_semaphore, #tpu.memory_space<semaphore_mem>>) src(%arg7 : memref<128xf32, #tpu.memory_space<hbm>>) dst(%arg14 : memref<128xf32, #tpu.memory_space<vmem>>)
      tpu.yield
    }) : () -> ()
    %dma_start3A = arith.constant 0 : i32
    %dma_start3A_3 = arith.constant 0 : i32
    %dma_start3A_4 = tpu.memref_slice %arg11[%dma_start3A, %dma_start3A_3] : memref<256x128xf32, #tpu.memory_space<vmem>> -> memref<128x128xf32, #tpu.memory_space<vmem>>
    %dma_start3A_5 = arith.constant 0 : i32
    %dma_start3A_6 = tpu.memref_slice %arg9[%dma_start3A_5] : memref<256xi32, #tpu.memory_space<vmem>> -> memref<128xi32, #tpu.memory_space<vmem>>
    %dma_start3A_7 = arith.constant 0 : i32
    %dma_start3A_8 = arith.constant 0 : i32
    %dma_start3A_9 = tpu.memref_slice %arg4[%dma_start3A_7, %dma_start3A_8] : memref<100000x128xf32, #tpu.memory_space<hbm>> -> memref<100000x128xf32, #tpu.memory_space<hbm>>
    tpu.enqueue_indirect_dma source(%dma_start3A_9 : memref<100000x128xf32, #tpu.memory_space<hbm>>) target(%dma_start3A_4 : memref<128x128xf32, #tpu.memory_space<vmem>>) offsets(%dma_start3A_6 : memref<128xi32, #tpu.memory_space<vmem>>) semaphore(%arg15 : memref<!tpu.dma_semaphore, #tpu.memory_space<semaphore_mem>>)
    %dma_start3A_10 = arith.constant 0 : i32
    %dma_start3A_11 = arith.constant 0 : i32
    %dma_start3A_12 = tpu.memref_slice %arg12[%dma_start3A_10, %dma_start3A_11] : memref<256x128xf32, #tpu.memory_space<vmem>> -> memref<128x128xf32, #tpu.memory_space<vmem>>
    %dma_start3A_13 = arith.constant 0 : i32
    %dma_start3A_14 = tpu.memref_slice %arg10[%dma_start3A_13] : memref<256xi32, #tpu.memory_space<vmem>> -> memref<128xi32, #tpu.memory_space<vmem>>
    %dma_start3A_15 = arith.constant 0 : i32
    %dma_start3A_16 = arith.constant 0 : i32
    %dma_start3A_17 = tpu.memref_slice %arg5[%dma_start3A_15, %dma_start3A_16] : memref<2x128xf32, #tpu.memory_space<hbm>> -> memref<2x128xf32, #tpu.memory_space<hbm>>
    tpu.enqueue_indirect_dma source(%dma_start3A_17 : memref<2x128xf32, #tpu.memory_space<hbm>>) target(%dma_start3A_12 : memref<128x128xf32, #tpu.memory_space<vmem>>) offsets(%dma_start3A_14 : memref<128xi32, #tpu.memory_space<vmem>>) semaphore(%arg15 : memref<!tpu.dma_semaphore, #tpu.memory_space<semaphore_mem>>)
    %dma_start3A_18 = arith.constant 128 : i32
    %dma_start3A_19 = arith.constant 0 : i32
    %dma_start3A_20 = tpu.memref_slice %arg11[%dma_start3A_18, %dma_start3A_19] : memref<256x128xf32, #tpu.memory_space<vmem>> -> memref<128x128xf32, #tpu.memory_space<vmem>>
    %dma_start3A_21 = arith.constant 128 : i32
    %dma_start3A_22 = tpu.memref_slice %arg9[%dma_start3A_21] : memref<256xi32, #tpu.memory_space<vmem>> -> memref<128xi32, #tpu.memory_space<vmem>>
    %dma_start3A_23 = arith.constant 0 : i32
    %dma_start3A_24 = arith.constant 0 : i32
    %dma_start3A_25 = tpu.memref_slice %arg4[%dma_start3A_23, %dma_start3A_24] : memref<100000x128xf32, #tpu.memory_space<hbm>> -> memref<100000x128xf32, #tpu.memory_space<hbm>>
    tpu.enqueue_indirect_dma source(%dma_start3A_25 : memref<100000x128xf32, #tpu.memory_space<hbm>>) target(%dma_start3A_20 : memref<128x128xf32, #tpu.memory_space<vmem>>) offsets(%dma_start3A_22 : memref<128xi32, #tpu.memory_space<vmem>>) semaphore(%arg15 : memref<!tpu.dma_semaphore, #tpu.memory_space<semaphore_mem>>)
    %dma_start3A_26 = arith.constant 128 : i32
    %dma_start3A_27 = arith.constant 0 : i32
    %dma_start3A_28 = tpu.memref_slice %arg12[%dma_start3A_26, %dma_start3A_27] : memref<256x128xf32, #tpu.memory_space<vmem>> -> memref<128x128xf32, #tpu.memory_space<vmem>>
    %dma_start3A_29 = arith.constant 128 : i32
    %dma_start3A_30 = tpu.memref_slice %arg10[%dma_start3A_29] : memref<256xi32, #tpu.memory_space<vmem>> -> memref<128xi32, #tpu.memory_space<vmem>>
    %dma_start3A_31 = arith.constant 0 : i32
    %dma_start3A_32 = arith.constant 0 : i32
    %dma_start3A_33 = tpu.memref_slice %arg5[%dma_start3A_31, %dma_start3A_32] : memref<2x128xf32, #tpu.memory_space<hbm>> -> memref<2x128xf32, #tpu.memory_space<hbm>>
    tpu.enqueue_indirect_dma source(%dma_start3A_33 : memref<2x128xf32, #tpu.memory_space<hbm>>) target(%dma_start3A_28 : memref<128x128xf32, #tpu.memory_space<vmem>>) offsets(%dma_start3A_30 : memref<128xi32, #tpu.memory_space<vmem>>) semaphore(%arg15 : memref<!tpu.dma_semaphore, #tpu.memory_space<semaphore_mem>>)
    %dma_wait3A = arith.constant 0 : i32
    %dma_wait3A_34 = arith.constant 0 : i32
    %dma_wait3A_35 = tpu.memref_slice %arg11[%dma_wait3A, %dma_wait3A_34] : memref<256x128xf32, #tpu.memory_space<vmem>> -> memref<128x128xf32, #tpu.memory_space<vmem>>
    %dma_wait3A_36 = arith.constant 0 : i32
    %dma_wait3A_37 = tpu.memref_slice %arg9[%dma_wait3A_36] : memref<256xi32, #tpu.memory_space<vmem>> -> memref<128xi32, #tpu.memory_space<vmem>>
    %dma_wait3A_38 = arith.constant 0 : i32
    %dma_wait3A_39 = arith.constant 0 : i32
    %dma_wait3A_40 = tpu.memref_slice %arg4[%dma_wait3A_38, %dma_wait3A_39] : memref<100000x128xf32, #tpu.memory_space<hbm>> -> memref<100000x128xf32, #tpu.memory_space<hbm>>
    tpu.wait_indirect_dma semaphore(%arg15 : memref<!tpu.dma_semaphore, #tpu.memory_space<semaphore_mem>>) src(%dma_wait3A_40 : memref<100000x128xf32, #tpu.memory_space<hbm>>) dst(%dma_wait3A_35 : memref<128x128xf32, #tpu.memory_space<vmem>>)
    %dma_wait3A_41 = arith.constant 0 : i32
    %dma_wait3A_42 = arith.constant 0 : i32
    %dma_wait3A_43 = tpu.memref_slice %arg12[%dma_wait3A_41, %dma_wait3A_42] : memref<256x128xf32, #tpu.memory_space<vmem>> -> memref<128x128xf32, #tpu.memory_space<vmem>>
    %dma_wait3A_44 = arith.constant 0 : i32
    %dma_wait3A_45 = tpu.memref_slice %arg10[%dma_wait3A_44] : memref<256xi32, #tpu.memory_space<vmem>> -> memref<128xi32, #tpu.memory_space<vmem>>
    %dma_wait3A_46 = arith.constant 0 : i32
    %dma_wait3A_47 = arith.constant 0 : i32
    %dma_wait3A_48 = tpu.memref_slice %arg5[%dma_wait3A_46, %dma_wait3A_47] : memref<2x128xf32, #tpu.memory_space<hbm>> -> memref<2x128xf32, #tpu.memory_space<hbm>>
    tpu.wait_indirect_dma semaphore(%arg15 : memref<!tpu.dma_semaphore, #tpu.memory_space<semaphore_mem>>) src(%dma_wait3A_48 : memref<2x128xf32, #tpu.memory_space<hbm>>) dst(%dma_wait3A_43 : memref<128x128xf32, #tpu.memory_space<vmem>>)
    %dma_wait3A_49 = arith.constant 128 : i32
    %dma_wait3A_50 = arith.constant 0 : i32
    %dma_wait3A_51 = tpu.memref_slice %arg11[%dma_wait3A_49, %dma_wait3A_50] : memref<256x128xf32, #tpu.memory_space<vmem>> -> memref<128x128xf32, #tpu.memory_space<vmem>>
    %dma_wait3A_52 = arith.constant 128 : i32
    %dma_wait3A_53 = tpu.memref_slice %arg9[%dma_wait3A_52] : memref<256xi32, #tpu.memory_space<vmem>> -> memref<128xi32, #tpu.memory_space<vmem>>
    %dma_wait3A_54 = arith.constant 0 : i32
    %dma_wait3A_55 = arith.constant 0 : i32
    %dma_wait3A_56 = tpu.memref_slice %arg4[%dma_wait3A_54, %dma_wait3A_55] : memref<100000x128xf32, #tpu.memory_space<hbm>> -> memref<100000x128xf32, #tpu.memory_space<hbm>>
    tpu.wait_indirect_dma semaphore(%arg15 : memref<!tpu.dma_semaphore, #tpu.memory_space<semaphore_mem>>) src(%dma_wait3A_56 : memref<100000x128xf32, #tpu.memory_space<hbm>>) dst(%dma_wait3A_51 : memref<128x128xf32, #tpu.memory_space<vmem>>)
    %dma_wait3A_57 = arith.constant 128 : i32
    %dma_wait3A_58 = arith.constant 0 : i32
    %dma_wait3A_59 = tpu.memref_slice %arg12[%dma_wait3A_57, %dma_wait3A_58] : memref<256x128xf32, #tpu.memory_space<vmem>> -> memref<128x128xf32, #tpu.memory_space<vmem>>
    %dma_wait3A_60 = arith.constant 128 : i32
    %dma_wait3A_61 = tpu.memref_slice %arg10[%dma_wait3A_60] : memref<256xi32, #tpu.memory_space<vmem>> -> memref<128xi32, #tpu.memory_space<vmem>>
    %dma_wait3A_62 = arith.constant 0 : i32
    %dma_wait3A_63 = arith.constant 0 : i32
    %dma_wait3A_64 = tpu.memref_slice %arg5[%dma_wait3A_62, %dma_wait3A_63] : memref<2x128xf32, #tpu.memory_space<hbm>> -> memref<2x128xf32, #tpu.memory_space<hbm>>
    tpu.wait_indirect_dma semaphore(%arg15 : memref<!tpu.dma_semaphore, #tpu.memory_space<semaphore_mem>>) src(%dma_wait3A_64 : memref<2x128xf32, #tpu.memory_space<hbm>>) dst(%dma_wait3A_59 : memref<128x128xf32, #tpu.memory_space<vmem>>)
    %get3A = arith.constant 0 : index
    %get3A_65 = tpu.vector_load %arg13[%get3A] {strides = array<i32>} : memref<128xf32, #tpu.memory_space<vmem>>, vector<16xf32>,
    %get3A_66 = arith.constant 16 : index
    %get3A_67 = tpu.vector_load %arg13[%get3A_66] {strides = array<i32>} : memref<128xf32, #tpu.memory_space<vmem>>, vector<16xf32>,
    %get3A_68 = arith.constant 32 : index
    %get3A_69 = tpu.vector_load %arg13[%get3A_68] {strides = array<i32>} : memref<128xf32, #tpu.memory_space<vmem>>, vector<16xf32>,
    %get3A_70 = arith.constant 48 : index
    %get3A_71 = tpu.vector_load %arg13[%get3A_70] {strides = array<i32>} : memref<128xf32, #tpu.memory_space<vmem>>, vector<16xf32>,
    %get3A_72 = arith.constant 64 : index
    %get3A_73 = tpu.vector_load %arg13[%get3A_72] {strides = array<i32>} : memref<128xf32, #tpu.memory_space<vmem>>, vector<16xf32>,
    %get3A_74 = arith.constant 80 : index
    %get3A_75 = tpu.vector_load %arg13[%get3A_74] {strides = array<i32>} : memref<128xf32, #tpu.memory_space<vmem>>, vector<16xf32>,
    %get3A_76 = arith.constant 96 : index
    %get3A_77 = tpu.vector_load %arg13[%get3A_76] {strides = array<i32>} : memref<128xf32, #tpu.memory_space<vmem>>, vector<16xf32>,
    %get3A_78 = arith.constant 112 : index
    %get3A_79 = tpu.vector_load %arg13[%get3A_78] {strides = array<i32>} : memref<128xf32, #tpu.memory_space<vmem>>, vector<16xf32>,
    %get3A_80 = arith.constant 0 : index
    %get3A_81 = tpu.vector_load %arg14[%get3A_80] {strides = array<i32>} : memref<128xf32, #tpu.memory_space<vmem>>, vector<16xf32>,
    %get3A_82 = arith.constant 16 : index
    %get3A_83 = tpu.vector_load %arg14[%get3A_82] {strides = array<i32>} : memref<128xf32, #tpu.memory_space<vmem>>, vector<16xf32>,
    %get3A_84 = arith.constant 32 : index
    %get3A_85 = tpu.vector_load %arg14[%get3A_84] {strides = array<i32>} : memref<128xf32, #tpu.memory_space<vmem>>, vector<16xf32>,
    %get3A_86 = arith.constant 48 : index
    %get3A_87 = tpu.vector_load %arg14[%get3A_86] {strides = array<i32>} : memref<128xf32, #tpu.memory_space<vmem>>, vector<16xf32>,
    %get3A_88 = arith.constant 64 : index
    %get3A_89 = tpu.vector_load %arg14[%get3A_88] {strides = array<i32>} : memref<128xf32, #tpu.memory_space<vmem>>, vector<16xf32>,
    %get3A_90 = arith.constant 80 : index
    %get3A_91 = tpu.vector_load %arg14[%get3A_90] {strides = array<i32>} : memref<128xf32, #tpu.memory_space<vmem>>, vector<16xf32>,
    %get3A_92 = arith.constant 96 : index
    %get3A_93 = tpu.vector_load %arg14[%get3A_92] {strides = array<i32>} : memref<128xf32, #tpu.memory_space<vmem>>, vector<16xf32>,
    %get3A_94 = arith.constant 112 : index
    %get3A_95 = tpu.vector_load %arg14[%get3A_94] {strides = array<i32>} : memref<128xf32, #tpu.memory_space<vmem>>, vector<16xf32>,
    %scan3A = arith.constant 0 : i32
    %scan3A_96 = arith.constant 0 : i32
    %scan3A_97 = arith.constant 256 : i32
    %scan3A_98 = arith.addi %scan3A_96, %scan3A_97 : i32
    %scan3A_99 = arith.constant 1 : i32
    scf.for %scan3A_101 = %scan3A_96 to %scan3A_98 step %scan3A_99  : i32 {
      %get3A_102 = arith.index_cast %scan3A_101 : i32 to index
      %get3A_103 = arith.constant 0 : index
      %get3A_104 = tpu.vector_load %arg11[%get3A_102, %get3A_103] {strides = array<i32>} : memref<256x128xf32, #tpu.memory_space<vmem>>, vector<16xf32>,
      %get3A_105 = arith.index_cast %scan3A_101 : i32 to index
      %get3A_106 = arith.constant 0 : index
      %get3A_107 = tpu.vector_load %arg12[%get3A_105, %get3A_106] {strides = array<i32>} : memref<256x128xf32, #tpu.memory_space<vmem>>, vector<16xf32>,
      %add3A_108 = arith.addf %get3A_104, %get3A_107 : vector<16xf32>
      %get3A_109 = arith.index_cast %scan3A_101 : i32 to index
      %get3A_110 = arith.constant 16 : index
      %get3A_111 = tpu.vector_load %arg11[%get3A_109, %get3A_110] {strides = array<i32>} : memref<256x128xf32, #tpu.memory_space<vmem>>, vector<16xf32>,
      %get3A_112 = arith.index_cast %scan3A_101 : i32 to index
      %get3A_113 = arith.constant 16 : index
      %get3A_114 = tpu.vector_load %arg12[%get3A_112, %get3A_113] {strides = array<i32>} : memref<256x128xf32, #tpu.memory_space<vmem>>, vector<16xf32>,
      %add3A_115 = arith.addf %get3A_111, %get3A_114 : vector<16xf32>
      %get3A_116 = arith.index_cast %scan3A_101 : i32 to index
      %get3A_117 = arith.constant 32 : index
      %get3A_118 = tpu.vector_load %arg11[%get3A_116, %get3A_117] {strides = array<i32>} : memref<256x128xf32, #tpu.memory_space<vmem>>, vector<16xf32>,
      %get3A_119 = arith.index_cast %scan3A_101 : i32 to index
      %get3A_120 = arith.constant 32 : index
      %get3A_121 = tpu.vector_load %arg12[%get3A_119, %get3A_120] {strides = array<i32>} : memref<256x128xf32, #tpu.memory_space<vmem>>, vector<16xf32>,
      %add3A_122 = arith.addf %get3A_118, %get3A_121 : vector<16xf32>
      %get3A_123 = arith.index_cast %scan3A_101 : i32 to index
      %get3A_124 = arith.constant 48 : index
      %get3A_125 = tpu.vector_load %arg11[%get3A_123, %get3A_124] {strides = array<i32>} : memref<256x128xf32, #tpu.memory_space<vmem>>, vector<16xf32>,
      %get3A_126 = arith.index_cast %scan3A_101 : i32 to index
      %get3A_127 = arith.constant 48 : index
      %get3A_128 = tpu.vector_load %arg12[%get3A_126, %get3A_127] {strides = array<i32>} : memref<256x128xf32, #tpu.memory_space<vmem>>, vector<16xf32>,
      %add3A_129 = arith.addf %get3A_125, %get3A_128 : vector<16xf32>
      %get3A_130 = arith.index_cast %scan3A_101 : i32 to index
      %get3A_131 = arith.constant 64 : index
      %get3A_132 = tpu.vector_load %arg11[%get3A_130, %get3A_131] {strides = array<i32>} : memref<256x128xf32, #tpu.memory_space<vmem>>, vector<16xf32>,
      %get3A_133 = arith.index_cast %scan3A_101 : i32 to index
      %get3A_134 = arith.constant 64 : index
      %get3A_135 = tpu.vector_load %arg12[%get3A_133, %get3A_134] {strides = array<i32>} : memref<256x128xf32, #tpu.memory_space<vmem>>, vector<16xf32>,
      %add3A_136 = arith.addf %get3A_132, %get3A_135 : vector<16xf32>
      %get3A_137 = arith.index_cast %scan3A_101 : i32 to index
      %get3A_138 = arith.constant 80 : index
      %get3A_139 = tpu.vector_load %arg11[%get3A_137, %get3A_138] {strides = array<i32>} : memref<256x128xf32, #tpu.memory_space<vmem>>, vector<16xf32>,
      %get3A_140 = arith.index_cast %scan3A_101 : i32 to index
      %get3A_141 = arith.constant 80 : index
      %get3A_142 = tpu.vector_load %arg12[%get3A_140, %get3A_141] {strides = array<i32>} : memref<256x128xf32, #tpu.memory_space<vmem>>, vector<16xf32>,
      %add3A_143 = arith.addf %get3A_139, %get3A_142 : vector<16xf32>
      %get3A_144 = arith.index_cast %scan3A_101 : i32 to index
      %get3A_145 = arith.constant 96 : index
      %get3A_146 = tpu.vector_load %arg11[%get3A_144, %get3A_145] {strides = array<i32>} : memref<256x128xf32, #tpu.memory_space<vmem>>, vector<16xf32>,
      %get3A_147 = arith.index_cast %scan3A_101 : i32 to index
      %get3A_148 = arith.constant 96 : index
      %get3A_149 = tpu.vector_load %arg12[%get3A_147, %get3A_148] {strides = array<i32>} : memref<256x128xf32, #tpu.memory_space<vmem>>, vector<16xf32>,
      %add3A_150 = arith.addf %get3A_146, %get3A_149 : vector<16xf32>
      %get3A_151 = arith.index_cast %scan3A_101 : i32 to index
      %get3A_152 = arith.constant 112 : index
      %get3A_153 = tpu.vector_load %arg11[%get3A_151, %get3A_152] {strides = array<i32>} : memref<256x128xf32, #tpu.memory_space<vmem>>, vector<16xf32>,
      %get3A_154 = arith.index_cast %scan3A_101 : i32 to index
      %get3A_155 = arith.constant 112 : index
      %get3A_156 = tpu.vector_load %arg12[%get3A_154, %get3A_155] {strides = array<i32>} : memref<256x128xf32, #tpu.memory_space<vmem>>, vector<16xf32>,
      %add3A_157 = arith.addf %get3A_153, %get3A_156 : vector<16xf32>
      %add3A_158 = arith.addf %add3A_108, %add3A_115 : vector<16xf32>
      %add3A_159 = arith.addf %add3A_158, %add3A_122 : vector<16xf32>
      %add3A_160 = arith.addf %add3A_159, %add3A_129 : vector<16xf32>
      %add3A_161 = arith.addf %add3A_160, %add3A_136 : vector<16xf32>
      %add3A_162 = arith.addf %add3A_161, %add3A_143 : vector<16xf32>
      %add3A_163 = arith.addf %add3A_162, %add3A_150 : vector<16xf32>
      %add3A_164 = arith.addf %add3A_163, %add3A_157 : vector<16xf32>
      %reduce_sum3A = arith.constant true
      %reduce_sum3A_165 = vector.broadcast %reduce_sum3A : i1 to vector<16xi1>
      %reduce_sum3A_166 = tpu.scan <sum>, %add3A_164 masked %reduce_sum3A_165 : vector<16xf32>, vector<16xi1> -> vector<16xf32>
      %reduce_sum3A_167 = vector.extract %reduce_sum3A_166[15] : f32 from vector<16xf32>
      %mul3A_168 = arith.constant 7.812500e-03 : f32
      %mul3A_169 = arith.mulf %reduce_sum3A_167, %mul3A_168 : f32
      %sub3A = vector.broadcast %mul3A_169 : f32 to vector<16xf32>
      %sub3A_170 = arith.subf %add3A_108, %sub3A : vector<16xf32>
      %sub3A_171 = vector.broadcast %mul3A_169 : f32 to vector<16xf32>
      %sub3A_172 = arith.subf %add3A_115, %sub3A_171 : vector<16xf32>
      %sub3A_173 = vector.broadcast %mul3A_169 : f32 to vector<16xf32>
      %sub3A_174 = arith.subf %add3A_122, %sub3A_173 : vector<16xf32>
      %sub3A_175 = vector.broadcast %mul3A_169 : f32 to vector<16xf32>
      %sub3A_176 = arith.subf %add3A_129, %sub3A_175 : vector<16xf32>
      %sub3A_177 = vector.broadcast %mul3A_169 : f32 to vector<16xf32>
      %sub3A_178 = arith.subf %add3A_136, %sub3A_177 : vector<16xf32>
      %sub3A_179 = vector.broadcast %mul3A_169 : f32 to vector<16xf32>
      %sub3A_180 = arith.subf %add3A_143, %sub3A_179 : vector<16xf32>
      %sub3A_181 = vector.broadcast %mul3A_169 : f32 to vector<16xf32>
      %sub3A_182 = arith.subf %add3A_150, %sub3A_181 : vector<16xf32>
      %sub3A_183 = vector.broadcast %mul3A_169 : f32 to vector<16xf32>
      %sub3A_184 = arith.subf %add3A_157, %sub3A_183 : vector<16xf32>
      %mul3A_185 = arith.mulf %sub3A_170, %sub3A_170 : vector<16xf32>
      %mul3A_186 = arith.mulf %sub3A_172, %sub3A_172 : vector<16xf32>
      %add3A_187 = arith.addf %mul3A_185, %mul3A_186 : vector<16xf32>
      %mul3A_188 = arith.mulf %sub3A_174, %sub3A_174 : vector<16xf32>
      %add3A_189 = arith.addf %add3A_187, %mul3A_188 : vector<16xf32>
      %mul3A_190 = arith.mulf %sub3A_176, %sub3A_176 : vector<16xf32>
      %add3A_191 = arith.addf %add3A_189, %mul3A_190 : vector<16xf32>
      %mul3A_192 = arith.mulf %sub3A_178, %sub3A_178 : vector<16xf32>
      %add3A_193 = arith.addf %add3A_191, %mul3A_192 : vector<16xf32>
      %mul3A_194 = arith.mulf %sub3A_180, %sub3A_180 : vector<16xf32>
      %add3A_195 = arith.addf %add3A_193, %mul3A_194 : vector<16xf32>
      %mul3A_196 = arith.mulf %sub3A_182, %sub3A_182 : vector<16xf32>
      %add3A_197 = arith.addf %add3A_195, %mul3A_196 : vector<16xf32>
      %mul3A_198 = arith.mulf %sub3A_184, %sub3A_184 : vector<16xf32>
      %add3A_199 = arith.addf %add3A_197, %mul3A_198 : vector<16xf32>
      %reduce_sum3A_200 = arith.constant true
      %reduce_sum3A_201 = vector.broadcast %reduce_sum3A_200 : i1 to vector<16xi1>
      %reduce_sum3A_202 = tpu.scan <sum>, %add3A_199 masked %reduce_sum3A_201 : vector<16xf32>, vector<16xi1> -> vector<16xf32>
      %reduce_sum3A_203 = vector.extract %reduce_sum3A_202[15] : f32 from vector<16xf32>
      %mul3A_204 = arith.constant 7.812500e-03 : f32
      %mul3A_205 = arith.mulf %reduce_sum3A_203, %mul3A_204 : f32
      %add3A_206 = arith.constant 9.99999996E-13 : f32
      %add3A_207 = arith.addf %mul3A_205, %add3A_206 : f32
      %broadcast_in_dim3A = vector.broadcast %add3A_207 : f32 to vector<16xf32>
      %bitcast3A = vector.bitcast %broadcast_in_dim3A : vector<16xf32> to vector<16xi32>
      %shift_right_logical3A = arith.constant 1 : i32
      %shift_right_logical3A_208 = vector.broadcast %shift_right_logical3A : i32 to vector<16xi32>
      %shift_right_logical3A_209 = arith.shrui %bitcast3A, %shift_right_logical3A_208 : vector<16xi32>
      %sub3A_210 = arith.constant 1597463007 : i32
      %sub3A_211 = vector.broadcast %sub3A_210 : i32 to vector<16xi32>
      %sub3A_212 = arith.subi %sub3A_211, %shift_right_logical3A_209 : vector<16xi32>
      %bitcast3A_213 = vector.bitcast %sub3A_212 : vector<16xi32> to vector<16xf32>
      %mul3A_214 = arith.constant 5.000000e-01 : f32
      %mul3A_215 = vector.broadcast %mul3A_214 : f32 to vector<16xf32>
      %mul3A_216 = arith.mulf %mul3A_215, %broadcast_in_dim3A : vector<16xf32>
      %mul3A_217 = arith.mulf %mul3A_216, %bitcast3A_213 : vector<16xf32>
      %mul3A_218 = arith.mulf %mul3A_217, %bitcast3A_213 : vector<16xf32>
      %sub3A_219 = arith.constant 1.500000e+00 : f32
      %sub3A_220 = vector.broadcast %sub3A_219 : f32 to vector<16xf32>
      %sub3A_221 = arith.subf %sub3A_220, %mul3A_218 : vector<16xf32>
      %mul3A_222 = arith.mulf %bitcast3A_213, %sub3A_221 : vector<16xf32>
      %mul3A_223 = arith.constant 5.000000e-01 : f32
      %mul3A_224 = vector.broadcast %mul3A_223 : f32 to vector<16xf32>
      %mul3A_225 = arith.mulf %mul3A_224, %broadcast_in_dim3A : vector<16xf32>
      %mul3A_226 = arith.mulf %mul3A_225, %mul3A_222 : vector<16xf32>
      %mul3A_227 = arith.mulf %mul3A_226, %mul3A_222 : vector<16xf32>
      %sub3A_228 = arith.constant 1.500000e+00 : f32
      %sub3A_229 = vector.broadcast %sub3A_228 : f32 to vector<16xf32>
      %sub3A_230 = arith.subf %sub3A_229, %mul3A_227 : vector<16xf32>
      %mul3A_231 = arith.mulf %mul3A_222, %sub3A_230 : vector<16xf32>
      %mul3A_232 = arith.constant 5.000000e-01 : f32
      %mul3A_233 = vector.broadcast %mul3A_232 : f32 to vector<16xf32>
      %mul3A_234 = arith.mulf %mul3A_233, %broadcast_in_dim3A : vector<16xf32>
      %mul3A_235 = arith.mulf %mul3A_234, %mul3A_231 : vector<16xf32>
      %mul3A_236 = arith.mulf %mul3A_235, %mul3A_231 : vector<16xf32>
      %sub3A_237 = arith.constant 1.500000e+00 : f32
      %sub3A_238 = vector.broadcast %sub3A_237 : f32 to vector<16xf32>
      %sub3A_239 = arith.subf %sub3A_238, %mul3A_236 : vector<16xf32>
      %mul3A_240 = arith.mulf %mul3A_231, %sub3A_239 : vector<16xf32>
      %mul3A_241 = arith.mulf %sub3A_170, %mul3A_240 : vector<16xf32>
      %mul3A_242 = arith.mulf %mul3A_241, %get3A_65 : vector<16xf32>
      %add3A_243 = arith.addf %mul3A_242, %get3A_81 : vector<16xf32>
      %swap3A = arith.index_cast %scan3A_101 : i32 to index
      %swap3A_244 = arith.constant 0 : index
      %swap3A_245 = tpu.vector_load %arg11[%swap3A, %swap3A_244] {strides = array<i32>} : memref<256x128xf32, #tpu.memory_space<vmem>>, vector<16xf32>,
      tpu.vector_store %arg11[%swap3A, %swap3A_244], %add3A_243 {strides = array<i32>} : memref<256x128xf32, #tpu.memory_space<vmem>>, vector<16xf32>,
      %mul3A_246 = arith.mulf %sub3A_172, %mul3A_240 : vector<16xf32>
      %mul3A_247 = arith.mulf %mul3A_246, %get3A_67 : vector<16xf32>
      %add3A_248 = arith.addf %mul3A_247, %get3A_83 : vector<16xf32>
      %swap3A_249 = arith.index_cast %scan3A_101 : i32 to index
      %swap3A_250 = arith.constant 16 : index
      %swap3A_251 = tpu.vector_load %arg11[%swap3A_249, %swap3A_250] {strides = array<i32>} : memref<256x128xf32, #tpu.memory_space<vmem>>, vector<16xf32>,
      tpu.vector_store %arg11[%swap3A_249, %swap3A_250], %add3A_248 {strides = array<i32>} : memref<256x128xf32, #tpu.memory_space<vmem>>, vector<16xf32>,
      %mul3A_252 = arith.mulf %sub3A_174, %mul3A_240 : vector<16xf32>
      %mul3A_253 = arith.mulf %mul3A_252, %get3A_69 : vector<16xf32>
      %add3A_254 = arith.addf %mul3A_253, %get3A_85 : vector<16xf32>
      %swap3A_255 = arith.index_cast %scan3A_101 : i32 to index
      %swap3A_256 = arith.constant 32 : index
      %swap3A_257 = tpu.vector_load %arg11[%swap3A_255, %swap3A_256] {strides = array<i32>} : memref<256x128xf32, #tpu.memory_space<vmem>>, vector<16xf32>,
      tpu.vector_store %arg11[%swap3A_255, %swap3A_256], %add3A_254 {strides = array<i32>} : memref<256x128xf32, #tpu.memory_space<vmem>>, vector<16xf32>,
      %mul3A_258 = arith.mulf %sub3A_176, %mul3A_240 : vector<16xf32>
      %mul3A_259 = arith.mulf %mul3A_258, %get3A_71 : vector<16xf32>
      %add3A_260 = arith.addf %mul3A_259, %get3A_87 : vector<16xf32>
      %swap3A_261 = arith.index_cast %scan3A_101 : i32 to index
      %swap3A_262 = arith.constant 48 : index
      %swap3A_263 = tpu.vector_load %arg11[%swap3A_261, %swap3A_262] {strides = array<i32>} : memref<256x128xf32, #tpu.memory_space<vmem>>, vector<16xf32>,
      tpu.vector_store %arg11[%swap3A_261, %swap3A_262], %add3A_260 {strides = array<i32>} : memref<256x128xf32, #tpu.memory_space<vmem>>, vector<16xf32>,
      %mul3A_264 = arith.mulf %sub3A_178, %mul3A_240 : vector<16xf32>
      %mul3A_265 = arith.mulf %mul3A_264, %get3A_73 : vector<16xf32>
      %add3A_266 = arith.addf %mul3A_265, %get3A_89 : vector<16xf32>
      %swap3A_267 = arith.index_cast %scan3A_101 : i32 to index
      %swap3A_268 = arith.constant 64 : index
      %swap3A_269 = tpu.vector_load %arg11[%swap3A_267, %swap3A_268] {strides = array<i32>} : memref<256x128xf32, #tpu.memory_space<vmem>>, vector<16xf32>,
      tpu.vector_store %arg11[%swap3A_267, %swap3A_268], %add3A_266 {strides = array<i32>} : memref<256x128xf32, #tpu.memory_space<vmem>>, vector<16xf32>,
      %mul3A_270 = arith.mulf %sub3A_180, %mul3A_240 : vector<16xf32>
      %mul3A_271 = arith.mulf %mul3A_270, %get3A_75 : vector<16xf32>
      %add3A_272 = arith.addf %mul3A_271, %get3A_91 : vector<16xf32>
      %swap3A_273 = arith.index_cast %scan3A_101 : i32 to index
      %swap3A_274 = arith.constant 80 : index
      %swap3A_275 = tpu.vector_load %arg11[%swap3A_273, %swap3A_274] {strides = array<i32>} : memref<256x128xf32, #tpu.memory_space<vmem>>, vector<16xf32>,
      tpu.vector_store %arg11[%swap3A_273, %swap3A_274], %add3A_272 {strides = array<i32>} : memref<256x128xf32, #tpu.memory_space<vmem>>, vector<16xf32>,
      %mul3A_276 = arith.mulf %sub3A_182, %mul3A_240 : vector<16xf32>
      %mul3A_277 = arith.mulf %mul3A_276, %get3A_77 : vector<16xf32>
      %add3A_278 = arith.addf %mul3A_277, %get3A_93 : vector<16xf32>
      %swap3A_279 = arith.index_cast %scan3A_101 : i32 to index
      %swap3A_280 = arith.constant 96 : index
      %swap3A_281 = tpu.vector_load %arg11[%swap3A_279, %swap3A_280] {strides = array<i32>} : memref<256x128xf32, #tpu.memory_space<vmem>>, vector<16xf32>,
      tpu.vector_store %arg11[%swap3A_279, %swap3A_280], %add3A_278 {strides = array<i32>} : memref<256x128xf32, #tpu.memory_space<vmem>>, vector<16xf32>,
      %mul3A_282 = arith.mulf %sub3A_184, %mul3A_240 : vector<16xf32>
      %mul3A_283 = arith.mulf %mul3A_282, %get3A_79 : vector<16xf32>
      %add3A_284 = arith.addf %mul3A_283, %get3A_95 : vector<16xf32>
      %swap3A_285 = arith.index_cast %scan3A_101 : i32 to index
      %swap3A_286 = arith.constant 112 : index
      %swap3A_287 = tpu.vector_load %arg11[%swap3A_285, %swap3A_286] {strides = array<i32>} : memref<256x128xf32, #tpu.memory_space<vmem>>, vector<16xf32>,
      tpu.vector_store %arg11[%swap3A_285, %swap3A_286], %add3A_284 {strides = array<i32>} : memref<256x128xf32, #tpu.memory_space<vmem>>, vector<16xf32>,
    }
    %scan3A_100 = arith.constant 256 : i32
    "tpu.region"() ({
      %run_scoped3A = tpu.sem_alloc : memref<!tpu.dma_semaphore, #tpu.memory_space<semaphore_mem>>
      %dma_start3A_101 = arith.constant 0 : i32
      %dma_start3A_102 = tpu.memref_slice %arg8[%mul3A_2, %dma_start3A_101] : memref<8192x128xf32, #tpu.memory_space<hbm>> -> memref<256x128xf32, #tpu.memory_space<hbm>>
      %dma_start3A_103 = arith.constant 0 : i32
      %dma_start3A_104 = tpu.memref_slice %arg8[%mul3A_2, %dma_start3A_103] : memref<8192x128xf32, #tpu.memory_space<hbm>> -> memref<256x128xf32, #tpu.memory_space<hbm>>
      tpu.enqueue_dma source(%arg11 : memref<256x128xf32, #tpu.memory_space<vmem>>) target(%dma_start3A_104 : memref<256x128xf32, #tpu.memory_space<hbm>>) target_semaphore(%run_scoped3A : memref<!tpu.dma_semaphore, #tpu.memory_space<semaphore_mem>>)
      %dma_wait3A_105 = arith.constant 0 : i32
      %dma_wait3A_106 = tpu.memref_slice %arg8[%mul3A_2, %dma_wait3A_105] : memref<8192x128xf32, #tpu.memory_space<hbm>> -> memref<256x128xf32, #tpu.memory_space<hbm>>
      %dma_wait3A_107 = arith.constant 0 : i32
      %dma_wait3A_108 = tpu.memref_slice %arg8[%mul3A_2, %dma_wait3A_107] : memref<8192x128xf32, #tpu.memory_space<hbm>> -> memref<256x128xf32, #tpu.memory_space<hbm>>
      tpu.wait_dma2 semaphore(%run_scoped3A : memref<!tpu.dma_semaphore, #tpu.memory_space<semaphore_mem>>) src(%arg11 : memref<256x128xf32, #tpu.memory_space<vmem>>) dst(%dma_wait3A_108 : memref<256x128xf32, #tpu.memory_space<hbm>>)
      tpu.yield
    }) : () -> ()
    return
  }
}

</mosaic_0001>

<sc_bundles>
// kernel: kernel.3.cloned.1.call-start
scs
__scs_entry_jumppad:
0x0: {  	(pc) =	sbr.rel $0x88, $3  }
0x1: {  	(tag) =	ssettag $0x0;
	lr =	simm.s32 $0x1  }
0x2: {  	[smem:$0x3F9B] =	sst lr;
	_ =	strace $0xD0000000  }
0x3: {  	_ = 	snop  }
0x4: {  	_ = 	snop  }
0x5: {  	_ = 	snop  }
0x6: {  	_ = 	snop  }
0x7: {  	_ = 	snop  }
__scs_overlays_trampoline_lowered:
0x8: {  	[smem:$0x3FAA] =	sst s0  }
0x9: {  	[smem:$0x3FAB] =	sst s1  }
0xa: {  	[smem:$0x3FAC] =	sst s2  }
0xb: {  	[smem:$0x3FAD] =	sst s3  }
0xc: {  	[smem:$0x3FAE] =	sst s4  }
0xd: {  	[smem:$0x3FAF] =	sst s5  }
0xe: {  	[smem:$0x3FB0] =	sst s6  }
0xf: {  	[smem:$0x3FB1] =	sst s7  }
0x10: {  	[smem:$0x3FB2] =	sst s8  }
0x11: {  	[smem:$0x3FB3] =	sst s9;
	s0 =	simm.s32 @!p0 $0x0  }
0x12: {  	s1 =	sld [smem:$0x3F99];
	s0 =	simm.s32 @p0 $0x1  }
0x13: {  	[smem:$0x3FB4] =	sst s0;
	s0 =	simm.s32 @!p1 $0x0  }
0x14: {  	s2 =	sld [smem:$0x3F98];
	s0 =	simm.s32 @p1 $0x1  }
0x15: {  	[smem:$0x3FB5] =	sst s0;
	s0 =	simm.s32 @!p2 $0x0  }
0x16: {  	s3 =	sld [smem:$0x3FDB];
	s0 =	simm.s32 @p2 $0x1  }
0x17: {  	s4 =	simm.s32 $0x1BF5;
	[smem:$0x3FB7] =	sst s0  }
0x18: {  	s0 =	sld [smem:$0x3F9A];
	_ =	swait.ge [sflag:s4], $0x0  }
0x19: {  	s7 =	sld [smem:$0x3F9B]  }
0x1a: {  	s8 =	sadd.s32 $0xFFFFE003, lr  }
0x1b: {  	s9 =	sadd.s32 $0xFFFFFEF7, lr;
	s5 =	simm.s32 $0xFFFFFFFF;
	p2 =	slt.u32 s8, $0xFFFFF086  }
0x1c: {  	p1 =	slt.u32 s9, $0xF7A;
	s5 =	simm.s32 @!p2 $0x0  }
0x1d: {  	s5 =	simm.s32 @p1 $0x1;
	p0 =	seq.s32 s7, s2  }
0x1e: {  	s7 =	smul.u32 @!p0 $0xF7A, s2;
	p2 =	seq.s32 @!p0 s5, $0x0  }
0x1f: {  	s9 =	smul.u32 $0xF7A, s1;
	s8 =	simm.s32 @!p0 $0x1BF5;
	p2 =	por !p2, p0  }
0x20: {  	[sflag:s8] =	ssyncset.s32 @!p0 $0xFFFFF086;
	s6 =	sadd.s32 @!p0 s3, s7;
	s7 =	simm.s32 @!p0 $0x108  }
0x21: {  	s3 =	sadd.s32 s3, s9;
	s6 =	sadd.s32 @!p0 $0x88, s6;
	s7 =	simm.s32 @p2 $0x1082  }
0x22: {  	[simem:s7], [sflag:s8] =	dma.local @!p0 [hbm:s6], $0xF7A  }
0x23: {  	s9 =	sor.u32 $0xD0000000, s2;
	s6 =	simm.s32 $0x108;
	_ =	swait.ge @!p0 [sflag:s8], $0x0  }
0x24: {  	s3 =	sadd.s32 $0x88, s3;
	s6 =	simm.s32 @!p1 $0x1082;
	[sflag:s4] =	ssyncset.s32 $0xFFFFF086  }
0x25: {  	[simem:s6], [sflag:s4] =	dma.local [hbm:s3], $0xF7A  }
0x26: {  	[smem:$0x3F9B] =	sst s1;
	(tag) =	ssettag s2;
	_ =	strace s9  }
0x27: {  	s1 =	sld [smem:$0x3FAB]  }
0x28: {  	s2 =	sld [smem:$0x3FAC]  }
0x29: {  	s4 =	sld [smem:$0x3FAE]  }
0x2a: {  	p0 =	seq.s32 s5, $0x0;
	s5 =	sld [smem:$0x3FAF]  }
0x2b: {  	s6 =	sld [smem:$0x3FB0]  }
0x2c: {  	s7 =	sld [smem:$0x3FB1]  }
0x2d: {  	s3 =	simm.s32 $0x108;
	s8 =	sld [smem:$0x3FB2]  }
0x2e: {  	s3 =	simm.s32 @!p0 $0x1082;
	s9 =	sld [smem:$0x3FB3]  }
0x2f: {  	lr =	sadd.s32 s0, s3;
	s0 =	sld [smem:$0x3FAA]  }
0x30: {  	s3 =	sld [smem:$0x3FAD]  }
0x31: {  	[smem:$0x3FB6] =	sst s10  }
0x32: {  	s10 =	sld [smem:$0x3FB4];
	_ =	sdelay $0x3  }
0x33: {  	p0 =	seq.s32 s10, $0x1;
	s10 =	sld [smem:$0x3FB6];
	_ =	sdelay $0x3  }
0x34: {  	[smem:$0x3FB6] =	sst s10  }
0x35: {  	s10 =	sld [smem:$0x3FB5];
	_ =	sdelay $0x3  }
0x36: {  	p1 =	seq.s32 s10, $0x1;
	s10 =	sld [smem:$0x3FB6];
	_ =	sdelay $0x3  }
0x37: {  	[smem:$0x3FB6] =	sst s10  }
0x38: {  	s10 =	sld [smem:$0x3FB7]  }
0x39: {  	_ = 	snop;
	(pc) =	sbr.ind lr, $3  }
0x3a: {  	_ = 	snop  }
0x3b: {  	_ = 	snop  }
0x3c: {  	p2 =	seq.s32 s10, $0x1;
	s10 =	sld [smem:$0x3FB6]  }
0x3d: {  	_ =	shalt  }
0x3e: {  	_ =	shalt  }
0x3f: {  	_ =	shalt  }
0x40: {  	_ =	shalt  }
0x41: {  	_ =	shalt  }
0x42: {  	_ =	shalt  }
0x43: {  	_ =	shalt  }
0x44: {  	_ =	shalt  }
0x45: {  	_ =	shalt  }
0x46: {  	_ =	shalt  }
0x47: {  	_ =	shalt  }
0x48: {  	_ =	shalt  }
0x49: {  	_ =	shalt  }
0x4a: {  	_ =	shalt  }
0x4b: {  	_ =	shalt  }
0x4c: {  	_ =	shalt  }
0x4d: {  	_ =	shalt  }
0x4e: {  	_ =	shalt  }
0x4f: {  	_ =	shalt  }
0x50: {  	_ =	shalt  }
0x51: {  	_ =	shalt  }
0x52: {  	_ =	shalt  }
0x53: {  	_ =	shalt  }
0x54: {  	_ =	shalt  }
0x55: {  	_ =	shalt  }
0x56: {  	_ =	shalt  }
0x57: {  	_ =	shalt  }
0x58: {  	_ =	shalt  }
0x59: {  	_ =	shalt  }
0x5a: {  	_ =	shalt  }
0x5b: {  	_ =	shalt  }
0x5c: {  	_ =	shalt  }
0x5d: {  	_ =	shalt  }
0x5e: {  	_ =	shalt  }
0x5f: {  	_ =	shalt  }
0x60: {  	_ =	shalt  }
0x61: {  	_ =	shalt  }
0x62: {  	_ =	shalt  }
0x63: {  	_ =	shalt  }
0x64: {  	_ =	shalt  }
0x65: {  	_ =	shalt  }
0x66: {  	_ =	shalt  }
0x67: {  	_ =	shalt  }
0x68: {  	_ =	shalt  }
0x69: {  	_ =	shalt  }
0x6a: {  	_ =	shalt  }
0x6b: {  	_ =	shalt  }
0x6c: {  	_ =	shalt  }
0x6d: {  	_ =	shalt  }
0x6e: {  	_ =	shalt  }
0x6f: {  	_ =	shalt  }
0x70: {  	_ =	shalt  }
0x71: {  	_ =	shalt  }
0x72: {  	_ =	shalt  }
0x73: {  	_ =	shalt  }
0x74: {  	_ =	shalt  }
0x75: {  	_ =	shalt  }
0x76: {  	_ =	shalt  }
0x77: {  	_ =	shalt  }
0x78: {  	_ =	shalt  }
0x79: {  	_ =	shalt  }
0x7a: {  	_ =	shalt  }
0x7b: {  	_ =	shalt  }
0x7c: {  	_ =	shalt  }
0x7d: {  	_ =	shalt  }
0x7e: {  	_ =	shalt  }
0x7f: {  	_ =	shalt  }
0x80: {  	_ =	shalt  }
0x81: {  	_ =	shalt  }
0x82: {  	_ =	shalt  }
0x83: {  	_ =	shalt  }
0x84: {  	_ =	shalt  }
0x85: {  	_ =	shalt  }
0x86: {  	_ =	shalt  }
0x87: {  	_ =	shalt  }
.Lfunc_end0:
.L_simem_size_0:
called_computation_lowered:
.L_overlay_start_0:
0x88: {  	s2 =	sld [smem:$0x3FD9]  }
0x89: {  	s3 =	sld [smem:$0x3FFE];
	_ =	sdelay $0x1  }
0x8a: {  	s1 =	srdreg.scid  }
0x8b: {  	s0 =	sand.u32 $0x1, s1  }
0x8c: {  	s17 =	sshll.u32 s0, $0xA;
	s2 =	sadd.s32 s3, s2  }
0x8d: {  	s2 =	sadd.s32 s2, s17  }
0x8e: {  	[smem:$0x3FC2] =	sst s2  }
0x8f: {  	_ = 	snop  }
0x90: {  	s2 =	sld [smem:$0x3FC7]  }
0x91: {  	s18 =	sld [smem:$0x3FC6]  }
0x92: {  	s4 =	sld [smem:$0x3FC5]  }
0x93: {  	s5 =	sld [smem:$0x3FC4]  }
0x94: {  	s6 =	sld [smem:$0x3FD0];
	(tm) =	ssettm $0x1  }
0x95: {  	s7 =	sld [smem:$0x3FFB];
	_ =	sdelay $0x3  }
0x96: {  	_ =	strace s7  }
0x97: {  	s7 =	sld [smem:$0x3FFC];
	_ =	sdelay $0x3  }
0x98: {  	_ =	strace s7  }
0x99: {  	s7 =	sld [smem:$0x3FFD];
	_ =	sdelay $0x3  }
0x9a: {  	_ =	strace s7  }
0x9b: {  	_ =	strace $0x8FFFFFFF  }
0x9c: {  	s19 =	sld [smem:$0x3FDB];
	_ =	sdelay $0x1  }
0x9d: {  	s8 =	simm.s32 $_scs_section_size  }
0x9e: {  	s9 =	simm.s32 $_size__tile_overlayer_lowered;
	s10 =	simm.s32 $_tile_overlayer_lowered  }
0x9f: {  	s22 =	simm.s32 $0x1BFF;
	s21 =	sshll.u32 s10, $0x1;
	s7 =	sadd.s32 s8, s19  }
0xa0: {  	s11 =	simm.s32 $0x0;
	s20 =	sshll.u32 s9, $0x1;
	s9 =	sadd.s32 s21, s7  }
0xa1: {  	[timem:s11], [sflag:s22] =	dma.local [hbm:s9], s20  }
0xa2: {  	_ =	swait.ge [sflag:s22], s20  }
0xa3: {  	s8 =	ssub.s32 $0x0, s20;
	[sflag:s22] =	ssyncset.done $0x0  }
0xa4: {  	[sflag:s22] =	ssyncadd.s32 s8;
	_ =	sdelay $0x1  }
0xa5: {  	s23 =	simm.s32 $0x1B8B  }
0xa6: {  	_ =	swait.ge [sflag:s23], $0x1  }
0xa7: {  	[sflag:s23] =	ssyncset.done $0x0  }
0xa8: {  	s25 =	simm.s32 $0x1B8E;
	s24 =	sld [smem:$0x3FFE];
	[sflag:s23] =	ssyncadd.s32 $0xFFFFFFFF  }
0xa9: {  	s26 =	simm.s32 $execute0_lowered;
	[smem:$0x3FD2] =	sst s25  }
0xaa: {  	s9 =	sshll.u32 s26, $0x1;
	_ =	strace $0x80000046;
	[dreg:$0x1] =	wrdreg $0xFFFFFFFF  }
0xab: {  	s28 =	simm.s32 $_size_execute0_lowered;
	s7 =	sadd.s32 s7, s9;
	[dreg:$0x0] =	wrdreg $0x0  }
0xac: {  	s9 =	sshll.u32 s28, $0x1;
	[dreg:$0x2] =	wrdreg s7  }
0xad: {  	[dreg:$0x3] =	wrdreg s9  }
0xae: {  	[dreg:$0x4] =	wrdreg $0xC0  }
0xaf: {  	_ =	task [dreg:s11], $0x5FFFF  }
0xb0: {  	[dreg:$0x1] =	wrdreg $0xFFFFFFFF  }
0xb1: {  	[dreg:$0x0] =	wrdreg $0x60  }
0xb2: {  	[dreg:$0x2] =	wrdreg s24  }
0xb3: {  	[dreg:$0x3] =	wrdreg s2  }
0xb4: {  	[dreg:$0x4] =	wrdreg s18  }
0xb5: {  	[dreg:$0x5] =	wrdreg s4  }
0xb6: {  	[dreg:$0x6] =	wrdreg s5  }
0xb7: {  	[dreg:$0x7] =	wrdreg s6  }
0xb8: {  	[dreg:$0x8] =	wrdreg $0x9  }
0xb9: {  	_ =	task.clear_ibuf [dreg:s11], $0x9FFFF;
	_ =	strace $0x90000046  }
0xba: {  	s29 =	simm.s32 $0x9;
	_ =	strace $0x80000048  }
0xbb: {  	_ =	swait.ge [sflag:s29], $0x1  }
0xbc: {  	[sflag:s29] =	ssyncadd.s32 $0xFFFFFFFF  }
0xbd: {  	_ =	strace $0x90000048  }
0xbe: {  	_ =	sfence  }
0xbf: {  	s30 =	sld [smem:$0x0];
	_ =	sdelay $0x2  }
0xc0: {  	s31 =	sshll.u32 s1, $0xD;
	s1 =	sshrl.u32 s1, $0x2  }
0xc1: {  	s3 =	sand.u32 $0x4000, s31;
	s1 =	sadd.s32 s1, s30  }
0xc2: {  	s0 =	sor.u32 s3, s0;
	s1 =	sshll.u32 s1, $0x11  }
0xc3: {  	s0 =	sor.u32 s1, s0  }
0xc4: {  	s0 =	sadd.s32 $0x8F2B, s0  }
0xc5: {  	[sflag:s0] =	ssyncadd.remote.s32 $0x1  }
0xc6: {  	_ =	sfence.sel $0xFFFF  }
0xc7: {  	[dreg:$0x0] =	wrdreg $0xFFFFFFFF;
	(pc) =	sbr.abs _section_cstart, $3  }
0xc8: {  	[dreg:$0x1] =	wrdreg $0xFFFFFFFF  }
0xc9: {  	_ =	task.clear_ibuf [dreg:s11], $0x2FFFF;
	_ =	strace $0x9FFFFFFF  }
0xca: {  	(tm) =	ssettm $0x7FFFFFFF  }
0xcb: {  	_ =	shalt  }
tec
execute0_lowered:
.L_overlay_start_1:
0x0: {  	(tag) =	ssettag $0x1  }
0x1: {  	s7 =	rddreg [dreg:$0x0]  }
0x2: {  	s0 =	rddreg [dreg:$0x1]  }
0x3: {  	s2 =	rddreg [dreg:$0x2]  }
0x4: {  	s3 =	rddreg [dreg:$0x3]  }
0x5: {  	s4 =	srdreg.scid;
	s5 =	rddreg [dreg:$0x4]  }
0x6: {  	s1 =	stileid.u32;
	s9 =	rddreg [dreg:$0x5]  }
0x7: {  	s6 =	simm.s32 $0x0;
	s13 =	simm.s32 $0x10200;
	s14 =	simm.s32 $0x10280  }
0x8: {  	s15 =	simm.s32 $0x80;
	s16 =	simm.s32 $0x200;
	s17 =	simm.s32 $0x8200  }
0x9: {  	s18 =	simm.s32 $0x4200;
	s19 =	simm.s32 $0x180;
	s20 =	simm.s32 $0xC200  }
0xa: {  	s21 =	simm.s32 $0x1;
	s22 =	simm.s32 $0x0;
	s8 =	sand.u32 $0x1, s4  }
0xb: {  	s10 =	sshll.u32 s1, $0x9;
	s4 =	rddreg [dreg:$0x6];
	s11 =	sshll.u32 s8, $0x8  }
0xc: {  	[smem:$0x7FF] =	sst s6;
	s8 =	ssub.s32 $0x2, s8;
	s10 =	sor.u32 s11, s10  }
0xd: {  	_ =	strace $0x80000047;
	s31 =	sshrl.u32 s8, $0x1;
	s11 =	sshrl.u32 s10, $0x3  }
0xe: {  	s12 =	ssub.s32 s8, s31;
	s10 =	sshll.u32 s10, $0x4;
	s11 =	sadd.s32 s11, s7  }
0xf: {  	s9 =	sadd.s32 s9, s10;
	s10 =	smax.u32 s12, $0x1;
	s12 =	simm.s32 $0x100  }
0x10: {  	s7 =	sadd.s32 $0x400, s11;
	s8 =	sadd.s32 $0x800, s11;
	s11 =	simm.s32 $0x2  }
.LBB2_1:
0x11: {  	[tilespmem:s6], [sflag:$0x2] =	stream.linear.gather [hbm4b:s7+s6], $0x100, $0x38;
	[tilespmem:$0x10300] =	vst v63  }
0x12: {  	_ =	swait.ge [sflag:s11], $0x100  }
0x13: {  	[sflag:s11] =	ssyncset.done $0x0  }
0x14: {  	[sflag:s11] =	ssyncadd.s32 $0xFFFFFF00  }
0x15: {  	[tilespmem:s12], [sflag:$0x2] =	stream.linear.gather [hbm4b:s8+s6], $0x100, $0x38;
	[tilespmem:$0x10300] =	vst v63  }
0x16: {  	_ =	swait.ge [sflag:s11], $0x100  }
0x17: {  	[sflag:s11] =	ssyncset.done $0x0  }
0x18: {  	[sflag:s11] =	ssyncadd.s32 $0xFFFFFF00  }
0x19: {  	[tilespmem:s13], [sflag:$0x2] =	stream.linear.gather [hbm4b:s3+s6], $0x80, $0x38;
	[tilespmem:$0x10300] =	vst v63  }
0x1a: {  	_ =	swait.ge [sflag:s11], $0x80  }
0x1b: {  	[sflag:s11] =	ssyncset.done $0x0  }
0x1c: {  	[sflag:s11] =	ssyncadd.s32 $0xFFFFFF80  }
0x1d: {  	[tilespmem:s14], [sflag:$0x2] =	stream.linear.gather [hbm4b:s5+s6], $0x80, $0x38;
	[tilespmem:$0x10300] =	vst v63  }
0x1e: {  	_ =	swait.ge [sflag:s11], $0x80  }
0x1f: {  	[sflag:s11] =	ssyncset.done $0x0  }
0x20: {  	[sflag:s11] =	ssyncadd.s32 $0xFFFFFF80  }
0x21: {  	[tilespmem:s16], [sflag:$0x1] =	stream.indirect.gather [hbm4b:s0+s15], $0x80, s6, s15, $0xb8;
	[tilespmem:$0x10300] =	vst v63  }
0x22: {  	_ = 	snop  }
0x23: {  	[tilespmem:s17], [sflag:$0x1] =	stream.indirect.gather [hbm4b:s2+s15], $0x80, s12, s15, $0xb8;
	[tilespmem:$0x10300] =	vst v63  }
0x24: {  	_ = 	snop  }
0x25: {  	[tilespmem:s18], [sflag:$0x1] =	stream.indirect.gather [hbm4b:s0+s15], $0x80, s15, s15, $0xb8;
	[tilespmem:$0x10300] =	vst v63  }
0x26: {  	_ = 	snop  }
0x27: {  	[tilespmem:s20], [sflag:$0x1] =	stream.indirect.gather [hbm4b:s2+s15], $0x80, s19, s15, $0xb8;
	[tilespmem:$0x10300] =	vst v63  }
0x28: {  	_ =	swait.ge [sflag:s21], $0x4000  }
0x29: {  	[sflag:s21] =	ssyncset.done $0x0  }
0x2a: {  	[sflag:s21] =	ssyncadd.s32 $0xFFFFC000  }
0x2b: {  	_ =	swait.ge [sflag:s21], $0x4000  }
0x2c: {  	[sflag:s21] =	ssyncset.done $0x0  }
0x2d: {  	[sflag:s21] =	ssyncadd.s32 $0xFFFFC000  }
0x2e: {  	_ =	swait.ge [sflag:s21], $0x4000  }
0x2f: {  	[sflag:s21] =	ssyncset.done $0x0  }
0x30: {  	[sflag:s21] =	ssyncadd.s32 $0xFFFFC000  }
0x31: {  	_ =	swait.ge [sflag:s21], $0x4000  }
0x32: {  	[sflag:s21] =	ssyncset.done $0x0  }
0x33: {  	s23 =	simm.s32 $0x0;
	[sflag:s21] =	ssyncadd.s32 $0xFFFFC000  }
0x34: {  	v0 =	vld [tilespmem:s23+$0x8200]  }
0x35: {  	v1 =	vld [tilespmem:s23+$0x8210]  }
0x36: {  	v2 =	vld [tilespmem:s23+$0x210]  }
0x37: {  	v3 =	vld [tilespmem:s23+$0x200]  }
0x38: {  	v4 =	vld [tilespmem:s23+$0x8220]  }
0x39: {  	v5 =	vld [tilespmem:s23+$0x220]  }
0x3a: {  	v6 =	vld [tilespmem:s23+$0x8230]  }
0x3b: {  	v7 =	vld [tilespmem:s23+$0x230]  }
0x3c: {  	v0 =	vadd.f32 v0, v3;
	v1 =	vadd.f32 v1, v2;
	v2 =	vld [tilespmem:s23+$0x8240]  }
0x3d: {  	v3 =	vld [tilespmem:s23+$0x240]  }
0x3e: {  	v9 =	vld [tilespmem:s23+$0x250];
	v4 =	vadd.f32 v4, v5;
	v8 =	vadd.f32 v1, v0  }
0x3f: {  	v5 =	vld [tilespmem:s23+$0x8250]  }
0x40: {  	v10 =	vld [tilespmem:s23+$0x260];
	v6 =	vadd.f32 v6, v7;
	v8 =	vadd.f32 v4, v8  }
0x41: {  	v7 =	vld [tilespmem:s23+$0x8260]  }
0x42: {  	v11 =	vld [tilespmem:s23+$0x270];
	v2 =	vadd.f32 v2, v3;
	v8 =	vadd.f32 v6, v8  }
0x43: {  	v3 =	vld [tilespmem:s23+$0x8270]  }
0x44: {  	v5 =	vadd.f32 v5, v9;
	v8 =	vadd.f32 v2, v8;
	_ =	sdelay $0x1  }
0x45: {  	v7 =	vadd.f32 v7, v10;
	v8 =	vadd.f32 v5, v8;
	_ =	sdelay $0x1  }
0x46: {  	v3 =	vadd.f32 v3, v11;
	v8 =	vadd.f32 v7, v8;
	_ =	sdelay $0x1  }
0x47: {  	v8 =	vadd.f32 v3, v8;
	_ =	sdelay $0x1  }
0x48: {  	(xrf2) =	vadd.scan.msk.f32 $0xffff, v8;
	_ =	sdelay $0x9  }
0x49: {  	v8, _, _ =	vpop (xrf2)  }
0x4a: {  	(v2sf) =	vpush v8, $0xF;
	_ =	sdelay $0xe  }
0x4b: {  	s24 =	spop (v2sf)  }
0x4c: {  	s24 =	smul.f32 $7.812500000e-03, s24;
	_ =	sdelay $0x1  }
0x4d: {  	v8 =	vmov s24  }
0x4e: {  	v11 =	vsub.f32 v0, v8;
	v16 =	vsub.f32 v1, v8;
	_ =	sdelay $0x1  }
0x4f: {  	v17 =	vsub.f32 v4, v8;
	v0 =	vmul.f32 v11, v11;
	v1 =	vmul.f32 v16, v16;
	_ =	sdelay $0x1  }
0x50: {  	v18 =	vsub.f32 v6, v8;
	v0 =	vadd.f32 v1, v0;
	v1 =	vmul.f32 v17, v17;
	_ =	sdelay $0x1  }
0x51: {  	v19 =	vsub.f32 v2, v8;
	v0 =	vadd.f32 v0, v1;
	v1 =	vmul.f32 v18, v18;
	_ =	sdelay $0x1  }
0x52: {  	v20 =	vsub.f32 v5, v8;
	v0 =	vadd.f32 v0, v1;
	v1 =	vmul.f32 v19, v19;
	_ =	sdelay $0x1  }
0x53: {  	v21 =	vsub.f32 v7, v8;
	v0 =	vadd.f32 v0, v1;
	v1 =	vmul.f32 v20, v20;
	_ =	sdelay $0x1  }
0x54: {  	v22 =	vsub.f32 v3, v8;
	v0 =	vadd.f32 v0, v1;
	v1 =	vmul.f32 v21, v21;
	_ =	sdelay $0x1  }
0x55: {  	v0 =	vadd.f32 v0, v1;
	v1 =	vmul.f32 v22, v22;
	_ =	sdelay $0x1  }
0x56: {  	v0 =	vadd.f32 v0, v1;
	_ =	sdelay $0x1  }
0x57: {  	(xrf2) =	vadd.scan.msk.f32 $0xffff, v0;
	_ =	sdelay $0x9  }
0x58: {  	v0, _, _ =	vpop (xrf2)  }
0x59: {  	(v2sf) =	vpush v0, $0xF;
	_ =	sdelay $0xe  }
0x5a: {  	s31 =	spop (v2sf)  }
0x5b: {  	s24 =	smul.f32 $7.812500000e-03, s31;
	_ =	sdelay $0x1  }
0x5c: {  	s24 =	sadd.f32 $9.999999960e-13, s24;
	_ =	sdelay $0x1  }
0x5d: {  	v0 =	vmov s24  }
0x5e: {  	v1 =	vshrl.u32 v0, $0x1;
	v0 =	vmul.f32 $5.000000000e-01, v0  }
0x5f: {  	v1 =	vsub.s32 $0x5F3759DF, v1  }
0x60: {  	v2 =	vmul.f32 v1, v0;
	_ =	sdelay $0x1  }
0x61: {  	v2 =	vmul.f32 v1, v2;
	_ =	sdelay $0x1  }
0x62: {  	v2 =	vsub.f32 $1.500000000e+00, v2;
	_ =	sdelay $0x1  }
0x63: {  	v1 =	vmul.f32 v1, v2;
	_ =	sdelay $0x1  }
0x64: {  	v2 =	vmul.f32 v1, v0;
	_ =	sdelay $0x1  }
0x65: {  	v2 =	vmul.f32 v2, v1;
	_ =	sdelay $0x1  }
0x66: {  	v2 =	vsub.f32 $1.500000000e+00, v2;
	_ =	sdelay $0x1  }
0x67: {  	v15 =	vld [tilespmem:$0x10280];
	v4 =	vmul.f32 v2, v1  }
0x68: {  	v13 =	vld [tilespmem:$0x10290]  }
0x69: {  	v14 =	vld [tilespmem:$0x102A0];
	v0 =	vmul.f32 v4, v0  }
0x6a: {  	v12 =	vld [tilespmem:$0x102B0]  }
0x6b: {  	v9 =	vld [tilespmem:$0x10200];
	v6 =	vmul.f32 v0, v4  }
0x6c: {  	v10 =	vld [tilespmem:$0x10220]  }
0x6d: {  	v8 =	vld [tilespmem:$0x10210];
	v6 =	vsub.f32 $1.500000000e+00, v6  }
0x6e: {  	v5 =	vld [tilespmem:$0x10230]  }
0x6f: {  	v3 =	vld [tilespmem:$0x10240];
	v23 =	vmul.f32 v6, v4  }
0x70: {  	v7 =	vld [tilespmem:$0x102E0]  }
0x71: {  	v2 =	vld [tilespmem:$0x10250];
	v4 =	vmul.f32 v23, v11  }
0x72: {  	v1 =	vld [tilespmem:$0x10260];
	v16 =	vmul.f32 v23, v16  }
0x73: {  	v0 =	vld [tilespmem:$0x10270];
	v17 =	vmul.f32 v23, v17;
	v24 =	vmul.f32 v4, v9  }
0x74: {  	v11 =	vld [tilespmem:$0x102C0];
	v18 =	vmul.f32 v23, v18;
	v25 =	vmul.f32 v16, v8  }
0x75: {  	v6 =	vld [tilespmem:$0x102D0];
	v19 =	vmul.f32 v23, v19;
	v26 =	vmul.f32 v17, v10;
	v24 =	vadd.f32 v24, v15  }
0x76: {  	s25 =	simm.s32 $0x80;
	v20 =	vmul.f32 v23, v20;
	v4 =	vld [tilespmem:$0x102F0];
	v18 =	vmul.f32 v18, v5;
	v25 =	vadd.f32 v25, v13  }
0x77: {  	v27 =	vmul.f32 v23, v21;
	v16 =	vld [tilespmem:s25+$0x8200];
	v63 =	vmul.f32 v19, v3;
	v62 =	vadd.f32 v26, v14;
	[tilespmem:s23+$0x200] =	vst v24  }
0x78: {  	v21 =	vmul.f32 v20, v2;
	v20 =	vmul.f32 v23, v22;
	v19 =	vadd.f32 v18, v12;
	v17 =	vld [tilespmem:s25+$0x8210];
	[tilespmem:s23+$0x210] =	vst v25  }
0x79: {  	s24 =	simm.s32 $0x400;
	v22 =	vmul.f32 v27, v1;
	v23 =	vadd.f32 v63, v11;
	v18 =	vld [tilespmem:s25+$0x210];
	[tilespmem:s23+$0x220] =	vst v62  }
.LBB2_2:
0x7a: {  	p0 =	sne.s32 s24, $0x1FE00;
	v24 =	vld [tilespmem:s25+$0x200];
	[tilespmem:s23+$0x230] =	vst v19;
	v19 =	vadd.f32 v21, v6;
	v20 =	vmul.f32 v20, v0  }
0x7b: {  	v21 =	vld [tilespmem:s25+$0x8220];
	[tilespmem:s23+$0x240] =	vst v23;
	v22 =	vadd.f32 v22, v7  }
0x7c: {  	v23 =	vld [tilespmem:s25+$0x220];
	[tilespmem:s23+$0x250] =	vst v19;
	v19 =	vadd.f32 v20, v4  }
0x7d: {  	v20 =	vld [tilespmem:s25+$0x8230];
	[tilespmem:s23+$0x260] =	vst v22  }
0x7e: {  	v22 =	vld [tilespmem:s25+$0x230];
	[tilespmem:s23+$0x270] =	vst v19;
	s23 =	smov.u32 s25  }
0x7f: {  	v17 =	vadd.f32 v17, v18;
	v16 =	vadd.f32 v16, v24;
	v18 =	vld [tilespmem:s23+$0x8240]  }
0x80: {  	v19 =	vld [tilespmem:s23+$0x240]  }
0x81: {  	v21 =	vadd.f32 v21, v23;
	v23 =	vld [tilespmem:s23+$0x8250];
	v24 =	vadd.f32 v17, v16  }
0x82: {  	v25 =	vld [tilespmem:s23+$0x250]  }
0x83: {  	v20 =	vadd.f32 v20, v22;
	v22 =	vld [tilespmem:s23+$0x8260];
	v24 =	vadd.f32 v21, v24  }
0x84: {  	v26 =	vld [tilespmem:s23+$0x260]  }
0x85: {  	v18 =	vadd.f32 v18, v19;
	v19 =	vld [tilespmem:s23+$0x8270];
	v24 =	vadd.f32 v20, v24  }
0x86: {  	v27 =	vld [tilespmem:s23+$0x270]  }
0x87: {  	v23 =	vadd.f32 v23, v25;
	v24 =	vadd.f32 v18, v24;
	_ =	sdelay $0x1  }
0x88: {  	v22 =	vadd.f32 v22, v26;
	v24 =	vadd.f32 v23, v24;
	_ =	sdelay $0x1  }
0x89: {  	v19 =	vadd.f32 v19, v27;
	v24 =	vadd.f32 v22, v24;
	_ =	sdelay $0x1  }
0x8a: {  	v24 =	vadd.f32 v19, v24;
	_ =	sdelay $0x1  }
0x8b: {  	(xrf2) =	vadd.scan.msk.f32 $0xffff, v24;
	_ =	sdelay $0x9  }
0x8c: {  	v24, _, _ =	vpop (xrf2)  }
0x8d: {  	(v2sf) =	vpush v24, $0xF;
	_ =	sdelay $0xe  }
0x8e: {  	s25 =	spop (v2sf)  }
0x8f: {  	s25 =	smul.f32 $7.812500000e-03, s25;
	_ =	sdelay $0x1  }
0x90: {  	v24 =	vmov s25  }
0x91: {  	v16 =	vsub.f32 v16, v24;
	v17 =	vsub.f32 v17, v24;
	_ =	sdelay $0x1  }
0x92: {  	v21 =	vsub.f32 v21, v24;
	v25 =	vmul.f32 v16, v16;
	v26 =	vmul.f32 v17, v17;
	_ =	sdelay $0x1  }
0x93: {  	v20 =	vsub.f32 v20, v24;
	v25 =	vadd.f32 v26, v25;
	v26 =	vmul.f32 v21, v21;
	_ =	sdelay $0x1  }
0x94: {  	v18 =	vsub.f32 v18, v24;
	v25 =	vadd.f32 v25, v26;
	v26 =	vmul.f32 v20, v20;
	_ =	sdelay $0x1  }
0x95: {  	v23 =	vsub.f32 v23, v24;
	v25 =	vadd.f32 v25, v26;
	v26 =	vmul.f32 v18, v18;
	_ =	sdelay $0x1  }
0x96: {  	v22 =	vsub.f32 v22, v24;
	v25 =	vadd.f32 v25, v26;
	v26 =	vmul.f32 v23, v23;
	_ =	sdelay $0x1  }
0x97: {  	v24 =	vsub.f32 v19, v24;
	v19 =	vadd.f32 v25, v26;
	v25 =	vmul.f32 v22, v22;
	_ =	sdelay $0x1  }
0x98: {  	v19 =	vadd.f32 v19, v25;
	v25 =	vmul.f32 v24, v24;
	_ =	sdelay $0x1  }
0x99: {  	v19 =	vadd.f32 v19, v25;
	_ =	sdelay $0x1  }
0x9a: {  	(xrf2) =	vadd.scan.msk.f32 $0xffff, v19;
	_ =	sdelay $0x9  }
0x9b: {  	v19, _, _ =	vpop (xrf2)  }
0x9c: {  	(v2sf) =	vpush v19, $0xF;
	_ =	sdelay $0xe  }
0x9d: {  	s25 =	spop (v2sf)  }
0x9e: {  	s25 =	smul.f32 $7.812500000e-03, s25;
	_ =	sdelay $0x1  }
0x9f: {  	s25 =	sadd.f32 $9.999999960e-13, s25;
	_ =	sdelay $0x1  }
0xa0: {  	v19 =	vmov s25  }
0xa1: {  	v25 =	vshrl.u32 v19, $0x1;
	v19 =	vmul.f32 $5.000000000e-01, v19  }
0xa2: {  	v25 =	vsub.s32 $0x5F3759DF, v25  }
0xa3: {  	v26 =	vmul.f32 v25, v19;
	_ =	sdelay $0x1  }
0xa4: {  	v26 =	vmul.f32 v25, v26;
	_ =	sdelay $0x1  }
0xa5: {  	v26 =	vsub.f32 $1.500000000e+00, v26;
	_ =	sdelay $0x1  }
0xa6: {  	v25 =	vmul.f32 v25, v26;
	_ =	sdelay $0x1  }
0xa7: {  	v26 =	vmul.f32 v25, v19;
	_ =	sdelay $0x1  }
0xa8: {  	v26 =	vmul.f32 v26, v25;
	_ =	sdelay $0x1  }
0xa9: {  	v26 =	vsub.f32 $1.500000000e+00, v26;
	_ =	sdelay $0x1  }
0xaa: {  	v25 =	vmul.f32 v26, v25;
	_ =	sdelay $0x1  }
0xab: {  	v19 =	vmul.f32 v25, v19;
	_ =	sdelay $0x1  }
0xac: {  	v19 =	vmul.f32 v19, v25;
	_ =	sdelay $0x1  }
0xad: {  	v19 =	vsub.f32 $1.500000000e+00, v19;
	_ =	sdelay $0x1  }
0xae: {  	v25 =	vmul.f32 v19, v25;
	_ =	sdelay $0x1  }
0xaf: {  	v16 =	vmul.f32 v25, v16;
	v17 =	vmul.f32 v25, v17  }
0xb0: {  	v19 =	vmul.f32 v25, v21;
	v20 =	vmul.f32 v25, v20  }
0xb1: {  	v16 =	vmul.f32 v16, v9;
	v17 =	vmul.f32 v17, v8  }
0xb2: {  	v19 =	vmul.f32 v19, v10;
	v20 =	vmul.f32 v20, v5  }
.Ltmp0:
0xb3: {  	v21 =	vadd.f32 v16, v15;
	v26 =	vadd.f32 v17, v13;
	v17 =	vmul.f32 v25, v18;
	(pc) =	sbr.rel @p0 .LBB2_2-.Ltmp0, $4  }
0xb4: {  	s25 =	sshra.s32 s24, $0x2;
	v27 =	vadd.f32 v19, v14;
	v19 =	vadd.f32 v20, v12;
	v18 =	vmul.f32 v25, v23  }
0xb5: {  	v22 =	vmul.f32 v25, v22;
	v16 =	vld [tilespmem:s25+$0x8200];
	[tilespmem:s23+$0x200] =	vst v21;
	v23 =	vmul.f32 v17, v3  }
0xb6: {  	v20 =	vmul.f32 v25, v24;
	v21 =	vmul.f32 v18, v2;
	v17 =	vld [tilespmem:s25+$0x8210];
	[tilespmem:s23+$0x210] =	vst v26  }
0xb7: {  	s24 =	sadd.s32 $0x200, s24;
	v22 =	vmul.f32 v22, v1;
	v18 =	vld [tilespmem:s25+$0x210];
	[tilespmem:s23+$0x220] =	vst v27;
	v23 =	vadd.f32 v23, v11  }
0xb8: {  	v24 =	vld [tilespmem:s25+$0x200];
	[tilespmem:s23+$0x230] =	vst v19;
	v21 =	vadd.f32 v21, v6;
	v20 =	vmul.f32 v20, v0  }
0xb9: {  	v19 =	vld [tilespmem:s25+$0x8220];
	[tilespmem:s23+$0x240] =	vst v23;
	v22 =	vadd.f32 v22, v7  }
0xba: {  	v23 =	vld [tilespmem:s25+$0x220];
	[tilespmem:s23+$0x250] =	vst v21;
	v20 =	vadd.f32 v20, v4  }
0xbb: {  	v21 =	vld [tilespmem:s25+$0x8230];
	[tilespmem:s23+$0x260] =	vst v22  }
0xbc: {  	v22 =	vld [tilespmem:s25+$0x230];
	[tilespmem:s23+$0x270] =	vst v20  }
0xbd: {  	v17 =	vadd.f32 v17, v18;
	v16 =	vadd.f32 v16, v24;
	v41 =	vld [tilespmem:s25+$0x8240]  }
0xbe: {  	v20 =	vld [tilespmem:s25+$0x240]  }
0xbf: {  	v42 =	vld [tilespmem:s25+$0x8250];
	v19 =	vadd.f32 v19, v23;
	v24 =	vadd.f32 v17, v16  }
0xc0: {  	v25 =	vld [tilespmem:s25+$0x250]  }
0xc1: {  	v43 =	vld [tilespmem:s25+$0x8260];
	v21 =	vadd.f32 v21, v22;
	v24 =	vadd.f32 v19, v24  }
0xc2: {  	v26 =	vld [tilespmem:s25+$0x260]  }
0xc3: {  	v44 =	vld [tilespmem:s25+$0x8270];
	v18 =	vadd.f32 v41, v20;
	v24 =	vadd.f32 v21, v24  }
0xc4: {  	v27 =	vld [tilespmem:s25+$0x270]  }
0xc5: {  	v23 =	vadd.f32 v42, v25;
	v24 =	vadd.f32 v18, v24;
	_ =	sdelay $0x1  }
0xc6: {  	v22 =	vadd.f32 v43, v26;
	v24 =	vadd.f32 v23, v24;
	_ =	sdelay $0x1  }
0xc7: {  	v20 =	vadd.f32 v44, v27;
	v24 =	vadd.f32 v22, v24;
	_ =	sdelay $0x1  }
0xc8: {  	v24 =	vadd.f32 v20, v24;
	_ =	sdelay $0x1  }
0xc9: {  	(xrf2) =	vadd.scan.msk.f32 $0xffff, v24;
	_ =	sdelay $0x9  }
0xca: {  	v24, _, _ =	vpop (xrf2)  }
0xcb: {  	(v2sf) =	vpush v24, $0xF;
	_ =	sdelay $0xe  }
0xcc: {  	s30 =	spop (v2sf)  }
0xcd: {  	s23 =	smul.f32 $7.812500000e-03, s30;
	_ =	sdelay $0x1  }
0xce: {  	v45 =	vmov s23  }
0xcf: {  	v16 =	vsub.f32 v16, v45;
	v17 =	vsub.f32 v17, v45;
	_ =	sdelay $0x1  }
0xd0: {  	v19 =	vsub.f32 v19, v45;
	v46 =	vmul.f32 v16, v16;
	v47 =	vmul.f32 v17, v17;
	_ =	sdelay $0x1  }
0xd1: {  	v21 =	vsub.f32 v21, v45;
	v48 =	vmul.f32 v19, v19;
	v25 =	vadd.f32 v47, v46;
	_ =	sdelay $0x1  }
0xd2: {  	v18 =	vsub.f32 v18, v45;
	v49 =	vmul.f32 v21, v21;
	v25 =	vadd.f32 v25, v48;
	_ =	sdelay $0x1  }
0xd3: {  	v23 =	vsub.f32 v23, v45;
	v50 =	vmul.f32 v18, v18;
	v25 =	vadd.f32 v25, v49;
	_ =	sdelay $0x1  }
0xd4: {  	v22 =	vsub.f32 v22, v45;
	v51 =	vmul.f32 v23, v23;
	v25 =	vadd.f32 v25, v50;
	_ =	sdelay $0x1  }
0xd5: {  	v20 =	vsub.f32 v20, v45;
	v53 =	vmul.f32 v22, v22;
	v52 =	vadd.f32 v25, v51;
	_ =	sdelay $0x1  }
0xd6: {  	v54 =	vmul.f32 v20, v20;
	v24 =	vadd.f32 v52, v53;
	_ =	sdelay $0x1  }
0xd7: {  	v24 =	vadd.f32 v24, v54;
	_ =	sdelay $0x1  }
0xd8: {  	(xrf2) =	vadd.scan.msk.f32 $0xffff, v24;
	_ =	sdelay $0x9  }
0xd9: {  	v24, _, _ =	vpop (xrf2)  }
0xda: {  	(v2sf) =	vpush v24, $0xF;
	_ =	sdelay $0xe  }
0xdb: {  	s31 =	spop (v2sf)  }
0xdc: {  	s23 =	smul.f32 $7.812500000e-03, s31;
	_ =	sdelay $0x1  }
0xdd: {  	s23 =	sadd.f32 $9.999999960e-13, s23;
	_ =	sdelay $0x1  }
0xde: {  	v55 =	vmov s23  }
0xdf: {  	v56 =	vshrl.u32 v55, $0x1;
	v24 =	vmul.f32 $5.000000000e-01, v55  }
0xe0: {  	v25 =	vsub.s32 $0x5F3759DF, v56  }
0xe1: {  	v57 =	vmul.f32 v25, v24;
	_ =	sdelay $0x1  }
0xe2: {  	v26 =	vmul.f32 v25, v57;
	_ =	sdelay $0x1  }
0xe3: {  	v26 =	vsub.f32 $1.500000000e+00, v26;
	_ =	sdelay $0x1  }
0xe4: {  	v25 =	vmul.f32 v25, v26;
	_ =	sdelay $0x1  }
0xe5: {  	v26 =	vmul.f32 v25, v24;
	_ =	sdelay $0x1  }
0xe6: {  	v26 =	vmul.f32 v26, v25;
	_ =	sdelay $0x1  }
0xe7: {  	v26 =	vsub.f32 $1.500000000e+00, v26;
	_ =	sdelay $0x1  }
0xe8: {  	v25 =	vmul.f32 v26, v25;
	_ =	sdelay $0x1  }
0xe9: {  	v24 =	vmul.f32 v25, v24;
	_ =	sdelay $0x1  }
0xea: {  	v24 =	vmul.f32 v24, v25;
	_ =	sdelay $0x1  }
0xeb: {  	v24 =	vsub.f32 $1.500000000e+00, v24;
	_ =	sdelay $0x1  }
0xec: {  	v24 =	vmul.f32 v24, v25;
	_ =	sdelay $0x1  }
0xed: {  	v16 =	vmul.f32 v24, v16  }
0xee: {  	v17 =	vmul.f32 v24, v17  }
0xef: {  	v19 =	vmul.f32 v24, v19;
	v9 =	vmul.f32 v16, v9  }
0xf0: {  	v58 =	vmul.f32 v24, v21;
	v8 =	vmul.f32 v17, v8  }
0xf1: {  	v59 =	vmul.f32 v24, v18;
	v10 =	vmul.f32 v19, v10;
	v9 =	vadd.f32 v9, v15  }
0xf2: {  	v60 =	vmul.f32 v24, v23;
	v5 =	vmul.f32 v58, v5;
	v8 =	vadd.f32 v8, v13  }
0xf3: {  	v61 =	vmul.f32 v24, v22;
	v3 =	vmul.f32 v59, v3;
	v10 =	vadd.f32 v10, v14;
	[tilespmem:s25+$0x200] =	vst v9  }
0xf4: {  	v62 =	vmul.f32 v24, v20;
	v2 =	vmul.f32 v60, v2;
	v5 =	vadd.f32 v5, v12;
	[tilespmem:s25+$0x210] =	vst v8  }
0xf5: {  	v1 =	vmul.f32 v61, v1;
	v3 =	vadd.f32 v3, v11;
	[tilespmem:s25+$0x220] =	vst v10  }
0xf6: {  	v63 =	vmul.f32 v62, v0;
	v2 =	vadd.f32 v2, v6;
	[tilespmem:s25+$0x230] =	vst v5  }
0xf7: {  	v1 =	vadd.f32 v1, v7;
	[tilespmem:s25+$0x240] =	vst v3  }
0xf8: {  	s22 =	sadd.s32 $0x1, s22;
	v0 =	vadd.f32 v63, v4;
	[tilespmem:s25+$0x250] =	vst v2  }
0xf9: {  	p0 =	sne.s32 s22, s10;
	[tilespmem:s25+$0x260] =	vst v1  }
.Ltmp1:
0xfa: {  	[tilespmem:s25+$0x270] =	vst v0;
	(pc) =	sbr.rel @p0 .LBB2_1-.Ltmp1, $4  }
0xfb: {  	[hbm4b:s9+s6] =	stream.linear.scatter [tilespmem:s16], [sflag:$0x2], $0x8000, $0x38;
	[tilespmem:$0x10300] =	vst v63  }
0xfc: {  	_ =	swait.ge [sflag:s11], $0x8000  }
0xfd: {  	[sflag:s11] =	ssyncset.done $0x0  }
0xfe: {  	[sflag:s11] =	ssyncadd.s32 $0xFFFF8000  }
0xff: {  	_ =	sfence.sel $0x180000  }
0x100: {  	[bflag:$0x0] =	sbarrier.arrive $0xFFFF  }
0x101: {  	p0 =	sne.s32 s1, $0x0;
	_ =	strace $0x90000047  }
0x102: {  	s0 =	sadd.s32 @!p0 $0x100000, s4;
	[bflag:$0x2] =	sbarrier.arrive $0xFFFF  }
0x103: {  	[sflag:s0] =	ssyncadd.tile.s32 @!p0 $0x1;
	_ =	shalt  }
.Lfunc_end2:
_tile_overlayer_lowered:
.L_overlay_start_2:
0x104: {  	(tag) =	ssettag $0x2  }
0x105: {  	s0 =	rddreg [dreg:$0x0];
	s2 =	stileid.u32  }
0x106: {  	s1 =	rddreg [dreg:$0x1];
	p0 =	sne.s32 s2, $0x0  }
0x107: {  	s3 =	rddreg [dreg:$0x2];
	[bflag:$0x3] =	sbarrier.arrive $0xFFFF;
	s2 =	simm.s32 @!p0 $0x1C02  }
0x108: {  	[timem:s3], [sflag:s2] =	dma.local @!p0 [hbm:s0], s1  }
0x109: {  	s0 =	simm.s32 @!p0 $0x2  }
0x10a: {  	_ =	swait.ge @!p0 [sflag:s0], s1  }
0x10b: {  	s1 =	ssub.s32 @!p0 $0x0, s1;
	[sflag:s0] =	ssyncset.done @!p0 $0x0  }
0x10c: {  	[sflag:s0] =	ssyncadd.s32 @!p0 s1  }
0x10d: {  	[bflag:$0x3] =	sbarrier.arrive $0xFFFF  }
0x10e: {  	_ =	shalt  }

</sc_bundles>
